<compile_context>
chip_gen: v7x
topology: tpu7x:2x2x1
jax: 0.10.2.dev20260603
libtpu: 0.0.44.dev20260713+nightly
codegen_flags: <defaults>
</compile_context>

<pallas_src>
import functools

import jax
import jax.numpy as jnp
from jax import lax
from jax.experimental import pallas as pl
from jax.experimental.pallas import tpu as pltpu
from jax.experimental.pallas import tpu_sc as plsc

B, L, D = 16, 1024, 256
W = L // 2
K = 2048
NB = B * W


def _rowsum_ref_order(sq):
    m = sq[:, :128] + sq[:, 128:]
    r = m
    for k in range(1, 16):
        r = r + pltpu.roll(m, 128 - 8 * k, 1)
    u = r + pltpu.roll(r, 124, 1)
    v = u + pltpu.roll(u, 126, 1)
    w = v + pltpu.roll(v, 127, 1)
    return w[:, 0:1]


_BPS = 2
_M = _BPS * W
_NSTEP = B // _BPS


def _argmin_kernel(ce_ref, c2_ref, cb_ref, w_ref, b_ref,
                   idx_ref, s_ref):
    step = pl.program_id(0)

    @pl.when(step == 0)
    def _init():
        cb = cb_ref[...]
        proj = jax.lax.dot_general(
            cb, w_ref[...], (((1,), (0,)), ((), ())),
            precision=jax.lax.Precision.DEFAULT,
            preferred_element_type=jnp.float32) + b_ref[...]
        r = proj - cb
        s_ref[0, :] = jnp.sum(r * r, axis=1)

    ce = ce_ref[...].reshape(_M, 2 * D)
    wm = (ce[:, :D] + ce[:, D:]) * 0.5

    cb = cb_ref[...]
    e = jax.lax.dot_general(
        wm, cb, (((1,), (1,)), ((), ())),
        precision=jax.lax.Precision.DEFAULT,
        preferred_element_type=jnp.float32)
    x2 = _rowsum_ref_order(wm * wm)
    d2 = (x2 - 2.0 * e) + c2_ref[0][None, :]

    lanes = jax.lax.broadcasted_iota(
        jnp.int32, (_M, K), 1).astype(jnp.float32)
    mn = jnp.min(d2, axis=1, keepdims=True)
    idxf = jnp.min(jnp.where(d2 == mn, lanes, float(K)), axis=1)
    idx_ref[0, 0, :] = idxf.astype(jnp.int32)


def _tc_call(ce2, c2, cb, w, b2):
    return pl.pallas_call(
        _argmin_kernel,
        grid=(_NSTEP,),
        in_specs=[
            pl.BlockSpec((_BPS, W, 2 * D), lambda i: (i, 0, 0)),
            pl.BlockSpec((1, K), lambda i: (0, 0)),
            pl.BlockSpec((K, D), lambda i: (0, 0)),
            pl.BlockSpec((D, D), lambda i: (0, 0)),
            pl.BlockSpec((1, D), lambda i: (0, 0)),
        ],
        out_specs=[
            pl.BlockSpec((1, 1, _M), lambda i: (i, 0, 0)),
            pl.BlockSpec((1, K), lambda i: (0, 0)),
        ],
        out_shape=[
            jax.ShapeDtypeStruct((_NSTEP, 1, _M), jnp.int32),
            jax.ShapeDtypeStruct((1, K), jnp.float32),
        ],
        compiler_params=pltpu.CompilerParams(
            dimension_semantics=("arbitrary",)),
    )(ce2, c2, cb, w, b2)


_NC, _NS = 2, 16
_NW = _NC * _NS
_RPW = NB // _NW
_CH = 128
_NCH = _RPW // _CH

_sc_cache = {}


def _get_sc_gather():
    if "k" in _sc_cache:
        return _sc_cache["k"]

    @functools.partial(
        pl.kernel,
        mesh=plsc.VectorSubcoreMesh(core_axis_name="c",
                                    subcore_axis_name="s"),
        out_type=[jax.ShapeDtypeStruct((NB, D), jnp.float32),
                  jax.ShapeDtypeStruct((_NW, 16), jnp.float32)],
        scratch_types=[pltpu.VMEM((_NCH, _CH), jnp.int32),
                       pltpu.VMEM((_RPW, D), jnp.float32),
                       pltpu.VMEM((_RPW,), jnp.float32),
                       pltpu.VMEM((16,), jnp.float32),
                       pltpu.SemaphoreType.DMA],
    )
    def _sc_gather(idx_hbm, cb_hbm, s_hbm, emb_hbm, part_hbm,
                   idx_v, rows_v, sv, pv, sem):
        wid = lax.axis_index("s") * _NC + lax.axis_index("c")
        base = wid * _RPW
        pltpu.sync_copy(idx_hbm.at[pl.ds(wid * _NCH, _NCH)], idx_v)
        copies = []
        for j in range(_NCH):
            copies.append(pltpu.async_copy(
                cb_hbm.at[idx_v.at[j]], rows_v.at[pl.ds(j * _CH, _CH)], sem))
        for j in range(_NCH):
            copies.append(pltpu.async_copy(
                s_hbm.at[idx_v.at[j]], sv.at[pl.ds(j * _CH, _CH)], sem))
        for c in copies:
            c.wait()
        pltpu.sync_copy(rows_v, emb_hbm.at[pl.ds(base, _RPW)])
        acc = sv[pl.ds(0, 16)]
        for i in range(1, _RPW // 16):
            acc = acc + sv[pl.ds(16 * i, 16)]
        pv[...] = acc
        pltpu.sync_copy(pv, part_hbm.at[wid])

    _sc_cache["k"] = _sc_gather
    return _sc_gather


@jax.jit
def kernel(char_tokens, char_embeddings, word_codebook, W_proj, b_proj):
    del char_tokens
    c2 = jnp.sum(word_codebook * word_codebook, axis=-1)
    b2 = b_proj.reshape(1, D)
    idx, s = _tc_call(char_embeddings.reshape(B, W, 2 * D), c2.reshape(1, K),
                      word_codebook, W_proj, b2)
    emb, parts = _get_sc_gather()(idx.reshape(NB // _CH, _CH), word_codebook,
                                  s.reshape(K))
    loss = jnp.sum(parts) * (1.0 / (NB * D))
    return (idx.reshape(B, W), emb.reshape(B, W, D), loss.reshape(()))

# --- scband reference (transcript-rebuilt; emitter-appended) ---
"""Pipeline reference for scband-simple-cra-68994354643359 (READ-ONLY COPY).

The authoritative reference and input builder live on the scoring server;
editing this copy changes nothing except your own understanding.
"""

import jax, jax.numpy as jnp
import numpy as np

B, L, D = 16, 1024, 256
CODEBOOK_SIZE = 8192
WORD_SIZE = CODEBOOK_SIZE // 4  # 2048


def setup_inputs(seed: int = 0) -> dict:
    key = jax.random.key(seed)
    k1, k2, k3, k4 = jax.random.split(key, 4)
    char_tokens = jax.random.randint(k1, (B, L), 0, CODEBOOK_SIZE)
    char_embeddings = jax.random.normal(k2, (B, L, D), dtype=jnp.float32)
    word_codebook = jax.random.uniform(k3, (WORD_SIZE, D), dtype=jnp.float32,
                                       minval=-1.0 / WORD_SIZE, maxval=1.0 / WORD_SIZE)
    W_proj = jax.random.normal(k4, (D, D), dtype=jnp.float32) / np.sqrt(D)
    b_proj = jnp.zeros((D,), dtype=jnp.float32)
    return {
        "char_tokens": char_tokens,
        "char_embeddings": char_embeddings,
        "word_codebook": word_codebook,
        "W_proj": W_proj,
        "b_proj": b_proj,
    }


def reference(char_tokens, char_embeddings, word_codebook, W_proj, b_proj):
    Bm, Lm, Dm = char_embeddings.shape
    word_length = 2
    n_words = Lm // word_length
    # group chars into words: mean of each consecutive pair (vectorized form of the python loop)
    word_mean = char_embeddings.reshape(Bm, n_words, word_length, Dm).mean(axis=2)
    # cdist(word_mean, word_codebook) -> argmin; squared distance is argmin-equivalent to euclidean
    x2 = jnp.sum(word_mean * word_mean, axis=-1, keepdims=True)          # [B, W, 1]
    c2 = jnp.sum(word_codebook * word_codebook, axis=-1)                  # [K]
    d2 = x2 - 2.0 * jnp.einsum('bwd,kd->bwk', word_mean, word_codebook) + c2[None, None, :]
    word_indices = jnp.argmin(d2, axis=-1)                                # [B, W] int
    # nn.Embedding lookup on quantized indices (gather)
    word_embeddings = jnp.take(word_codebook, word_indices, axis=0)       # [B, W, D]
    # alignment loss: project concatenated word embeddings, MSE vs detached target
    flat = word_embeddings.reshape(Bm * n_words, Dm)
    projected = flat @ W_proj + b_proj
    alignment_loss = jnp.mean((projected - jax.lax.stop_gradient(flat)) ** 2)
    return (word_indices, word_embeddings, alignment_loss)

if __name__ == "__main__":
    import jax
    _d = setup_inputs()
    print(jax.jit(kernel)(*tuple(_d.values())))

</pallas_src>

<mosaic_0001>
#map = affine_map<(d0, d1) -> (0, 0)>
#map1 = affine_map<(d0, d1) -> (0)>
module attributes {stable_mosaic.version = 14 : i64} {
  func.func @_sc_gather(%arg0: i32, %arg1: i32, %arg2: memref<64x128xi32, #tpu.memory_space<hbm>>, %arg3: memref<2048x256xf32, #tpu.memory_space<hbm>>, %arg4: memref<2048xf32, #tpu.memory_space<hbm>>, %arg5: memref<8192x256xf32, #tpu.memory_space<hbm>>, %arg6: memref<32x16xf32, #tpu.memory_space<hbm>>, %arg7: memref<2x128xi32, #tpu.memory_space<vmem>>, %arg8: memref<256x256xf32, #tpu.memory_space<vmem>>, %arg9: memref<256xf32, #tpu.memory_space<vmem>>, %arg10: memref<16xf32, #tpu.memory_space<vmem>>, %arg11: memref<!tpu.dma_semaphore, #tpu.memory_space<semaphore_mem>>) attributes {dimension_semantics = [#tpu.dimension_semantics<core_parallel>, #tpu.dimension_semantics<subcore_parallel>], iteration_bounds = array<i64: 2, 16>, scalar_prefetch = 0 : i64, scratch_operands = 5 : i64, tpu.core_type = #tpu.core_type<sc_vector_subcore>, window_params = [{transform_indices = #map}, {transform_indices = #map}, {transform_indices = #map1}, {transform_indices = #map}, {transform_indices = #map}]} {
    %mul3A = arith.constant 2 : i32
    %mul3A_0 = arith.muli %arg1, %mul3A : i32
    %add3A = arith.addi %mul3A_0, %arg0 : i32
    %mul3A_1 = arith.constant 256 : i32
    %mul3A_2 = arith.muli %add3A, %mul3A_1 : i32
    %mul3A_3 = arith.constant 2 : i32
    %mul3A_4 = arith.muli %add3A, %mul3A_3 : i32
    "tpu.region"() ({
      %run_scoped3A = tpu.sem_alloc : memref<!tpu.dma_semaphore, #tpu.memory_space<semaphore_mem>>
      %dma_start3A_140 = arith.constant 0 : i32
      %dma_start3A_141 = tpu.memref_slice %arg2[%mul3A_4, %dma_start3A_140] : memref<64x128xi32, #tpu.memory_space<hbm>> -> memref<2x128xi32, #tpu.memory_space<hbm>>
      %dma_start3A_142 = arith.constant 0 : i32
      %dma_start3A_143 = tpu.memref_slice %arg2[%mul3A_4, %dma_start3A_142] : memref<64x128xi32, #tpu.memory_space<hbm>> -> memref<2x128xi32, #tpu.memory_space<hbm>>
      tpu.enqueue_dma source(%dma_start3A_143 : memref<2x128xi32, #tpu.memory_space<hbm>>) target(%arg7 : memref<2x128xi32, #tpu.memory_space<vmem>>) target_semaphore(%run_scoped3A : memref<!tpu.dma_semaphore, #tpu.memory_space<semaphore_mem>>)
      %dma_wait3A_144 = arith.constant 0 : i32
      %dma_wait3A_145 = tpu.memref_slice %arg2[%mul3A_4, %dma_wait3A_144] : memref<64x128xi32, #tpu.memory_space<hbm>> -> memref<2x128xi32, #tpu.memory_space<hbm>>
      %dma_wait3A_146 = arith.constant 0 : i32
      %dma_wait3A_147 = tpu.memref_slice %arg2[%mul3A_4, %dma_wait3A_146] : memref<64x128xi32, #tpu.memory_space<hbm>> -> memref<2x128xi32, #tpu.memory_space<hbm>>
      tpu.wait_dma2 semaphore(%run_scoped3A : memref<!tpu.dma_semaphore, #tpu.memory_space<semaphore_mem>>) src(%dma_wait3A_147 : memref<2x128xi32, #tpu.memory_space<hbm>>) dst(%arg7 : memref<2x128xi32, #tpu.memory_space<vmem>>)
      tpu.yield
    }) : () -> ()
    %dma_start3A = arith.constant 0 : i32
    %dma_start3A_5 = arith.constant 0 : i32
    %dma_start3A_6 = arith.constant 0 : i32
    %dma_start3A_7 = tpu.memref_slice %arg8[%dma_start3A_5, %dma_start3A_6] : memref<256x256xf32, #tpu.memory_space<vmem>> -> memref<128x256xf32, #tpu.memory_space<vmem>>
    %dma_start3A_8 = arith.constant 0 : i32
    %dma_start3A_9 = tpu.memref_slice %arg7[%dma_start3A, %dma_start3A_8] : memref<2x128xi32, #tpu.memory_space<vmem>> -> memref<1x128xi32, #tpu.memory_space<vmem>>
    %dma_start3A_10 = tpu.memref_squeeze %dma_start3A_9 : memref<1x128xi32, #tpu.memory_space<vmem>> -> memref<128xi32, #tpu.memory_space<vmem>>
    %dma_start3A_11 = arith.constant 0 : i32
    %dma_start3A_12 = arith.constant 0 : i32
    %dma_start3A_13 = tpu.memref_slice %arg3[%dma_start3A_11, %dma_start3A_12] : memref<2048x256xf32, #tpu.memory_space<hbm>> -> memref<2048x256xf32, #tpu.memory_space<hbm>>
    tpu.enqueue_indirect_dma source(%dma_start3A_13 : memref<2048x256xf32, #tpu.memory_space<hbm>>) target(%dma_start3A_7 : memref<128x256xf32, #tpu.memory_space<vmem>>) offsets(%dma_start3A_10 : memref<128xi32, #tpu.memory_space<vmem>>) semaphore(%arg11 : memref<!tpu.dma_semaphore, #tpu.memory_space<semaphore_mem>>)
    %dma_start3A_14 = arith.constant 1 : i32
    %dma_start3A_15 = arith.constant 128 : i32
    %dma_start3A_16 = arith.constant 0 : i32
    %dma_start3A_17 = tpu.memref_slice %arg8[%dma_start3A_15, %dma_start3A_16] : memref<256x256xf32, #tpu.memory_space<vmem>> -> memref<128x256xf32, #tpu.memory_space<vmem>>
    %dma_start3A_18 = arith.constant 0 : i32
    %dma_start3A_19 = tpu.memref_slice %arg7[%dma_start3A_14, %dma_start3A_18] : memref<2x128xi32, #tpu.memory_space<vmem>> -> memref<1x128xi32, #tpu.memory_space<vmem>>
    %dma_start3A_20 = tpu.memref_squeeze %dma_start3A_19 : memref<1x128xi32, #tpu.memory_space<vmem>> -> memref<128xi32, #tpu.memory_space<vmem>>
    %dma_start3A_21 = arith.constant 0 : i32
    %dma_start3A_22 = arith.constant 0 : i32
    %dma_start3A_23 = tpu.memref_slice %arg3[%dma_start3A_21, %dma_start3A_22] : memref<2048x256xf32, #tpu.memory_space<hbm>> -> memref<2048x256xf32, #tpu.memory_space<hbm>>
    tpu.enqueue_indirect_dma source(%dma_start3A_23 : memref<2048x256xf32, #tpu.memory_space<hbm>>) target(%dma_start3A_17 : memref<128x256xf32, #tpu.memory_space<vmem>>) offsets(%dma_start3A_20 : memref<128xi32, #tpu.memory_space<vmem>>) semaphore(%arg11 : memref<!tpu.dma_semaphore, #tpu.memory_space<semaphore_mem>>)
    %dma_start3A_24 = arith.constant 0 : i32
    %dma_start3A_25 = arith.constant 0 : i32
    %dma_start3A_26 = tpu.memref_slice %arg9[%dma_start3A_25] : memref<256xf32, #tpu.memory_space<vmem>> -> memref<128xf32, #tpu.memory_space<vmem>>
    %dma_start3A_27 = arith.constant 0 : i32
    %dma_start3A_28 = tpu.memref_slice %arg7[%dma_start3A_24, %dma_start3A_27] : memref<2x128xi32, #tpu.memory_space<vmem>> -> memref<1x128xi32, #tpu.memory_space<vmem>>
    %dma_start3A_29 = tpu.memref_squeeze %dma_start3A_28 : memref<1x128xi32, #tpu.memory_space<vmem>> -> memref<128xi32, #tpu.memory_space<vmem>>
    %dma_start3A_30 = arith.constant 0 : i32
    %dma_start3A_31 = tpu.memref_slice %arg4[%dma_start3A_30] : memref<2048xf32, #tpu.memory_space<hbm>> -> memref<2048xf32, #tpu.memory_space<hbm>>
    tpu.enqueue_indirect_dma source(%dma_start3A_31 : memref<2048xf32, #tpu.memory_space<hbm>>) target(%dma_start3A_26 : memref<128xf32, #tpu.memory_space<vmem>>) offsets(%dma_start3A_29 : memref<128xi32, #tpu.memory_space<vmem>>) semaphore(%arg11 : memref<!tpu.dma_semaphore, #tpu.memory_space<semaphore_mem>>)
    %dma_start3A_32 = arith.constant 1 : i32
    %dma_start3A_33 = arith.constant 128 : i32
    %dma_start3A_34 = tpu.memref_slice %arg9[%dma_start3A_33] : memref<256xf32, #tpu.memory_space<vmem>> -> memref<128xf32, #tpu.memory_space<vmem>>
    %dma_start3A_35 = arith.constant 0 : i32
    %dma_start3A_36 = tpu.memref_slice %arg7[%dma_start3A_32, %dma_start3A_35] : memref<2x128xi32, #tpu.memory_space<vmem>> -> memref<1x128xi32, #tpu.memory_space<vmem>>
    %dma_start3A_37 = tpu.memref_squeeze %dma_start3A_36 : memref<1x128xi32, #tpu.memory_space<vmem>> -> memref<128xi32, #tpu.memory_space<vmem>>
    %dma_start3A_38 = arith.constant 0 : i32
    %dma_start3A_39 = tpu.memref_slice %arg4[%dma_start3A_38] : memref<2048xf32, #tpu.memory_space<hbm>> -> memref<2048xf32, #tpu.memory_space<hbm>>
    tpu.enqueue_indirect_dma source(%dma_start3A_39 : memref<2048xf32, #tpu.memory_space<hbm>>) target(%dma_start3A_34 : memref<128xf32, #tpu.memory_space<vmem>>) offsets(%dma_start3A_37 : memref<128xi32, #tpu.memory_space<vmem>>) semaphore(%arg11 : memref<!tpu.dma_semaphore, #tpu.memory_space<semaphore_mem>>)
    %dma_wait3A = arith.constant 0 : i32
    %dma_wait3A_40 = arith.constant 0 : i32
    %dma_wait3A_41 = arith.constant 0 : i32
    %dma_wait3A_42 = tpu.memref_slice %arg8[%dma_wait3A_40, %dma_wait3A_41] : memref<256x256xf32, #tpu.memory_space<vmem>> -> memref<128x256xf32, #tpu.memory_space<vmem>>
    %dma_wait3A_43 = arith.constant 0 : i32
    %dma_wait3A_44 = tpu.memref_slice %arg7[%dma_wait3A, %dma_wait3A_43] : memref<2x128xi32, #tpu.memory_space<vmem>> -> memref<1x128xi32, #tpu.memory_space<vmem>>
    %dma_wait3A_45 = tpu.memref_squeeze %dma_wait3A_44 : memref<1x128xi32, #tpu.memory_space<vmem>> -> memref<128xi32, #tpu.memory_space<vmem>>
    %dma_wait3A_46 = arith.constant 0 : i32
    %dma_wait3A_47 = arith.constant 0 : i32
    %dma_wait3A_48 = tpu.memref_slice %arg3[%dma_wait3A_46, %dma_wait3A_47] : memref<2048x256xf32, #tpu.memory_space<hbm>> -> memref<2048x256xf32, #tpu.memory_space<hbm>>
    tpu.wait_indirect_dma semaphore(%arg11 : memref<!tpu.dma_semaphore, #tpu.memory_space<semaphore_mem>>) src(%dma_wait3A_48 : memref<2048x256xf32, #tpu.memory_space<hbm>>) dst(%dma_wait3A_42 : memref<128x256xf32, #tpu.memory_space<vmem>>)
    %dma_wait3A_49 = arith.constant 1 : i32
    %dma_wait3A_50 = arith.constant 128 : i32
    %dma_wait3A_51 = arith.constant 0 : i32
    %dma_wait3A_52 = tpu.memref_slice %arg8[%dma_wait3A_50, %dma_wait3A_51] : memref<256x256xf32, #tpu.memory_space<vmem>> -> memref<128x256xf32, #tpu.memory_space<vmem>>
    %dma_wait3A_53 = arith.constant 0 : i32
    %dma_wait3A_54 = tpu.memref_slice %arg7[%dma_wait3A_49, %dma_wait3A_53] : memref<2x128xi32, #tpu.memory_space<vmem>> -> memref<1x128xi32, #tpu.memory_space<vmem>>
    %dma_wait3A_55 = tpu.memref_squeeze %dma_wait3A_54 : memref<1x128xi32, #tpu.memory_space<vmem>> -> memref<128xi32, #tpu.memory_space<vmem>>
    %dma_wait3A_56 = arith.constant 0 : i32
    %dma_wait3A_57 = arith.constant 0 : i32
    %dma_wait3A_58 = tpu.memref_slice %arg3[%dma_wait3A_56, %dma_wait3A_57] : memref<2048x256xf32, #tpu.memory_space<hbm>> -> memref<2048x256xf32, #tpu.memory_space<hbm>>
    tpu.wait_indirect_dma semaphore(%arg11 : memref<!tpu.dma_semaphore, #tpu.memory_space<semaphore_mem>>) src(%dma_wait3A_58 : memref<2048x256xf32, #tpu.memory_space<hbm>>) dst(%dma_wait3A_52 : memref<128x256xf32, #tpu.memory_space<vmem>>)
    %dma_wait3A_59 = arith.constant 0 : i32
    %dma_wait3A_60 = arith.constant 0 : i32
    %dma_wait3A_61 = tpu.memref_slice %arg9[%dma_wait3A_60] : memref<256xf32, #tpu.memory_space<vmem>> -> memref<128xf32, #tpu.memory_space<vmem>>
    %dma_wait3A_62 = arith.constant 0 : i32
    %dma_wait3A_63 = tpu.memref_slice %arg7[%dma_wait3A_59, %dma_wait3A_62] : memref<2x128xi32, #tpu.memory_space<vmem>> -> memref<1x128xi32, #tpu.memory_space<vmem>>
    %dma_wait3A_64 = tpu.memref_squeeze %dma_wait3A_63 : memref<1x128xi32, #tpu.memory_space<vmem>> -> memref<128xi32, #tpu.memory_space<vmem>>
    %dma_wait3A_65 = arith.constant 0 : i32
    %dma_wait3A_66 = tpu.memref_slice %arg4[%dma_wait3A_65] : memref<2048xf32, #tpu.memory_space<hbm>> -> memref<2048xf32, #tpu.memory_space<hbm>>
    tpu.wait_indirect_dma semaphore(%arg11 : memref<!tpu.dma_semaphore, #tpu.memory_space<semaphore_mem>>) src(%dma_wait3A_66 : memref<2048xf32, #tpu.memory_space<hbm>>) dst(%dma_wait3A_61 : memref<128xf32, #tpu.memory_space<vmem>>)
    %dma_wait3A_67 = arith.constant 1 : i32
    %dma_wait3A_68 = arith.constant 128 : i32
    %dma_wait3A_69 = tpu.memref_slice %arg9[%dma_wait3A_68] : memref<256xf32, #tpu.memory_space<vmem>> -> memref<128xf32, #tpu.memory_space<vmem>>
    %dma_wait3A_70 = arith.constant 0 : i32
    %dma_wait3A_71 = tpu.memref_slice %arg7[%dma_wait3A_67, %dma_wait3A_70] : memref<2x128xi32, #tpu.memory_space<vmem>> -> memref<1x128xi32, #tpu.memory_space<vmem>>
    %dma_wait3A_72 = tpu.memref_squeeze %dma_wait3A_71 : memref<1x128xi32, #tpu.memory_space<vmem>> -> memref<128xi32, #tpu.memory_space<vmem>>
    %dma_wait3A_73 = arith.constant 0 : i32
    %dma_wait3A_74 = tpu.memref_slice %arg4[%dma_wait3A_73] : memref<2048xf32, #tpu.memory_space<hbm>> -> memref<2048xf32, #tpu.memory_space<hbm>>
    tpu.wait_indirect_dma semaphore(%arg11 : memref<!tpu.dma_semaphore, #tpu.memory_space<semaphore_mem>>) src(%dma_wait3A_74 : memref<2048xf32, #tpu.memory_space<hbm>>) dst(%dma_wait3A_69 : memref<128xf32, #tpu.memory_space<vmem>>)
    "tpu.region"() ({
      %run_scoped3A = tpu.sem_alloc : memref<!tpu.dma_semaphore, #tpu.memory_space<semaphore_mem>>
      %dma_start3A_140 = arith.constant 0 : i32
      %dma_start3A_141 = tpu.memref_slice %arg5[%mul3A_2, %dma_start3A_140] : memref<8192x256xf32, #tpu.memory_space<hbm>> -> memref<256x256xf32, #tpu.memory_space<hbm>>
      %dma_start3A_142 = arith.constant 0 : i32
      %dma_start3A_143 = tpu.memref_slice %arg5[%mul3A_2, %dma_start3A_142] : memref<8192x256xf32, #tpu.memory_space<hbm>> -> memref<256x256xf32, #tpu.memory_space<hbm>>
      tpu.enqueue_dma source(%arg8 : memref<256x256xf32, #tpu.memory_space<vmem>>) target(%dma_start3A_143 : memref<256x256xf32, #tpu.memory_space<hbm>>) target_semaphore(%run_scoped3A : memref<!tpu.dma_semaphore, #tpu.memory_space<semaphore_mem>>)
      %dma_wait3A_144 = arith.constant 0 : i32
      %dma_wait3A_145 = tpu.memref_slice %arg5[%mul3A_2, %dma_wait3A_144] : memref<8192x256xf32, #tpu.memory_space<hbm>> -> memref<256x256xf32, #tpu.memory_space<hbm>>
      %dma_wait3A_146 = arith.constant 0 : i32
      %dma_wait3A_147 = tpu.memref_slice %arg5[%mul3A_2, %dma_wait3A_146] : memref<8192x256xf32, #tpu.memory_space<hbm>> -> memref<256x256xf32, #tpu.memory_space<hbm>>
      tpu.wait_dma2 semaphore(%run_scoped3A : memref<!tpu.dma_semaphore, #tpu.memory_space<semaphore_mem>>) src(%arg8 : memref<256x256xf32, #tpu.memory_space<vmem>>) dst(%dma_wait3A_147 : memref<256x256xf32, #tpu.memory_space<hbm>>)
      tpu.yield
    }) : () -> ()
    %get3A = arith.constant 0 : index
    %get3A_75 = tpu.vector_load %arg9[%get3A] {strides = array<i32>} : memref<256xf32, #tpu.memory_space<vmem>>, vector<16xf32>,
    %get3A_76 = vector.shape_cast %get3A_75 : vector<16xf32> to vector<16xf32>
    %get3A_77 = arith.constant 16 : index
    %get3A_78 = tpu.vector_load %arg9[%get3A_77] {strides = array<i32>} : memref<256xf32, #tpu.memory_space<vmem>>, vector<16xf32>,
    %get3A_79 = vector.shape_cast %get3A_78 : vector<16xf32> to vector<16xf32>
    %add3A_80 = arith.addf %get3A_76, %get3A_79 : vector<16xf32>
    %get3A_81 = arith.constant 32 : index
    %get3A_82 = tpu.vector_load %arg9[%get3A_81] {strides = array<i32>} : memref<256xf32, #tpu.memory_space<vmem>>, vector<16xf32>,
    %get3A_83 = vector.shape_cast %get3A_82 : vector<16xf32> to vector<16xf32>
    %add3A_84 = arith.addf %add3A_80, %get3A_83 : vector<16xf32>
    %get3A_85 = arith.constant 48 : index
    %get3A_86 = tpu.vector_load %arg9[%get3A_85] {strides = array<i32>} : memref<256xf32, #tpu.memory_space<vmem>>, vector<16xf32>,
    %get3A_87 = vector.shape_cast %get3A_86 : vector<16xf32> to vector<16xf32>
    %add3A_88 = arith.addf %add3A_84, %get3A_87 : vector<16xf32>
    %get3A_89 = arith.constant 64 : index
    %get3A_90 = tpu.vector_load %arg9[%get3A_89] {strides = array<i32>} : memref<256xf32, #tpu.memory_space<vmem>>, vector<16xf32>,
    %get3A_91 = vector.shape_cast %get3A_90 : vector<16xf32> to vector<16xf32>
    %add3A_92 = arith.addf %add3A_88, %get3A_91 : vector<16xf32>
    %get3A_93 = arith.constant 80 : index
    %get3A_94 = tpu.vector_load %arg9[%get3A_93] {strides = array<i32>} : memref<256xf32, #tpu.memory_space<vmem>>, vector<16xf32>,
    %get3A_95 = vector.shape_cast %get3A_94 : vector<16xf32> to vector<16xf32>
    %add3A_96 = arith.addf %add3A_92, %get3A_95 : vector<16xf32>
    %get3A_97 = arith.constant 96 : index
    %get3A_98 = tpu.vector_load %arg9[%get3A_97] {strides = array<i32>} : memref<256xf32, #tpu.memory_space<vmem>>, vector<16xf32>,
    %get3A_99 = vector.shape_cast %get3A_98 : vector<16xf32> to vector<16xf32>
    %add3A_100 = arith.addf %add3A_96, %get3A_99 : vector<16xf32>
    %get3A_101 = arith.constant 112 : index
    %get3A_102 = tpu.vector_load %arg9[%get3A_101] {strides = array<i32>} : memref<256xf32, #tpu.memory_space<vmem>>, vector<16xf32>,
    %get3A_103 = vector.shape_cast %get3A_102 : vector<16xf32> to vector<16xf32>
    %add3A_104 = arith.addf %add3A_100, %get3A_103 : vector<16xf32>
    %get3A_105 = arith.constant 128 : index
    %get3A_106 = tpu.vector_load %arg9[%get3A_105] {strides = array<i32>} : memref<256xf32, #tpu.memory_space<vmem>>, vector<16xf32>,
    %get3A_107 = vector.shape_cast %get3A_106 : vector<16xf32> to vector<16xf32>
    %add3A_108 = arith.addf %add3A_104, %get3A_107 : vector<16xf32>
    %get3A_109 = arith.constant 144 : index
    %get3A_110 = tpu.vector_load %arg9[%get3A_109] {strides = array<i32>} : memref<256xf32, #tpu.memory_space<vmem>>, vector<16xf32>,
    %get3A_111 = vector.shape_cast %get3A_110 : vector<16xf32> to vector<16xf32>
    %add3A_112 = arith.addf %add3A_108, %get3A_111 : vector<16xf32>
    %get3A_113 = arith.constant 160 : index
    %get3A_114 = tpu.vector_load %arg9[%get3A_113] {strides = array<i32>} : memref<256xf32, #tpu.memory_space<vmem>>, vector<16xf32>,
    %get3A_115 = vector.shape_cast %get3A_114 : vector<16xf32> to vector<16xf32>
    %add3A_116 = arith.addf %add3A_112, %get3A_115 : vector<16xf32>
    %get3A_117 = arith.constant 176 : index
    %get3A_118 = tpu.vector_load %arg9[%get3A_117] {strides = array<i32>} : memref<256xf32, #tpu.memory_space<vmem>>, vector<16xf32>,
    %get3A_119 = vector.shape_cast %get3A_118 : vector<16xf32> to vector<16xf32>
    %add3A_120 = arith.addf %add3A_116, %get3A_119 : vector<16xf32>
    %get3A_121 = arith.constant 192 : index
    %get3A_122 = tpu.vector_load %arg9[%get3A_121] {strides = array<i32>} : memref<256xf32, #tpu.memory_space<vmem>>, vector<16xf32>,
    %get3A_123 = vector.shape_cast %get3A_122 : vector<16xf32> to vector<16xf32>
    %add3A_124 = arith.addf %add3A_120, %get3A_123 : vector<16xf32>
    %get3A_125 = arith.constant 208 : index
    %get3A_126 = tpu.vector_load %arg9[%get3A_125] {strides = array<i32>} : memref<256xf32, #tpu.memory_space<vmem>>, vector<16xf32>,
    %get3A_127 = vector.shape_cast %get3A_126 : vector<16xf32> to vector<16xf32>
    %add3A_128 = arith.addf %add3A_124, %get3A_127 : vector<16xf32>
    %get3A_129 = arith.constant 224 : index
    %get3A_130 = tpu.vector_load %arg9[%get3A_129] {strides = array<i32>} : memref<256xf32, #tpu.memory_space<vmem>>, vector<16xf32>,
    %get3A_131 = vector.shape_cast %get3A_130 : vector<16xf32> to vector<16xf32>
    %add3A_132 = arith.addf %add3A_128, %get3A_131 : vector<16xf32>
    %get3A_133 = arith.constant 240 : index
    %get3A_134 = tpu.vector_load %arg9[%get3A_133] {strides = array<i32>} : memref<256xf32, #tpu.memory_space<vmem>>, vector<16xf32>,
    %get3A_135 = vector.shape_cast %get3A_134 : vector<16xf32> to vector<16xf32>
    %add3A_136 = arith.addf %add3A_132, %get3A_135 : vector<16xf32>
    %swap3A = arith.constant 0 : index
    %swap3A_137 = tpu.vector_load %arg10[%swap3A] {strides = array<i32>} : memref<16xf32, #tpu.memory_space<vmem>>, vector<16xf32>,
    %swap3A_138 = vector.shape_cast %swap3A_137 : vector<16xf32> to vector<16xf32>
    %swap3A_139 = vector.shape_cast %add3A_136 : vector<16xf32> to vector<16xf32>
    tpu.vector_store %arg10[%swap3A], %swap3A_139 {strides = array<i32>} : memref<16xf32, #tpu.memory_space<vmem>>, vector<16xf32>,
    "tpu.region"() ({
      %run_scoped3A = tpu.sem_alloc : memref<!tpu.dma_semaphore, #tpu.memory_space<semaphore_mem>>
      %dma_start3A_140 = arith.constant 0 : i32
      %dma_start3A_141 = tpu.memref_slice %arg6[%add3A, %dma_start3A_140] : memref<32x16xf32, #tpu.memory_space<hbm>> -> memref<1x16xf32, #tpu.memory_space<hbm>>
      %dma_start3A_142 = tpu.memref_squeeze %dma_start3A_141 : memref<1x16xf32, #tpu.memory_space<hbm>> -> memref<16xf32, #tpu.memory_space<hbm>>
      %dma_start3A_143 = arith.constant 0 : i32
      %dma_start3A_144 = tpu.memref_slice %arg6[%add3A, %dma_start3A_143] : memref<32x16xf32, #tpu.memory_space<hbm>> -> memref<1x16xf32, #tpu.memory_space<hbm>>
      %dma_start3A_145 = tpu.memref_squeeze %dma_start3A_144 : memref<1x16xf32, #tpu.memory_space<hbm>> -> memref<16xf32, #tpu.memory_space<hbm>>
      tpu.enqueue_dma source(%arg10 : memref<16xf32, #tpu.memory_space<vmem>>) target(%dma_start3A_145 : memref<16xf32, #tpu.memory_space<hbm>>) target_semaphore(%run_scoped3A : memref<!tpu.dma_semaphore, #tpu.memory_space<semaphore_mem>>)
      %dma_wait3A_146 = arith.constant 0 : i32
      %dma_wait3A_147 = tpu.memref_slice %arg6[%add3A, %dma_wait3A_146] : memref<32x16xf32, #tpu.memory_space<hbm>> -> memref<1x16xf32, #tpu.memory_space<hbm>>
      %dma_wait3A_148 = tpu.memref_squeeze %dma_wait3A_147 : memref<1x16xf32, #tpu.memory_space<hbm>> -> memref<16xf32, #tpu.memory_space<hbm>>
      %dma_wait3A_149 = arith.constant 0 : i32
      %dma_wait3A_150 = tpu.memref_slice %arg6[%add3A, %dma_wait3A_149] : memref<32x16xf32, #tpu.memory_space<hbm>> -> memref<1x16xf32, #tpu.memory_space<hbm>>
      %dma_wait3A_151 = tpu.memref_squeeze %dma_wait3A_150 : memref<1x16xf32, #tpu.memory_space<hbm>> -> memref<16xf32, #tpu.memory_space<hbm>>
      tpu.wait_dma2 semaphore(%run_scoped3A : memref<!tpu.dma_semaphore, #tpu.memory_space<semaphore_mem>>) src(%arg10 : memref<16xf32, #tpu.memory_space<vmem>>) dst(%dma_wait3A_151 : memref<16xf32, #tpu.memory_space<hbm>>)
      tpu.yield
    }) : () -> ()
    return
  }
}

module attributes {stable_mosaic.version = 14 : i64} {
  func.func @_argmin_kernel(%arg0: i32, %arg1: memref<2x512x512xf32, #tpu.memory_space<vmem>>, %arg2: memref<1x2048xf32, #tpu.memory_space<vmem>>, %arg3: memref<2048x256xf32, #tpu.memory_space<vmem>>, %arg4: memref<256x256xf32, #tpu.memory_space<vmem>>, %arg5: memref<1x256xf32, #tpu.memory_space<vmem>>, %arg6: memref<1x1x1024xi32, #tpu.memory_space<vmem>>, %arg7: memref<1x2048xf32, #tpu.memory_space<vmem>>) attributes {dimension_semantics = [#tpu.dimension_semantics<arbitrary>], iteration_bounds = array<i64: 8>, scalar_prefetch = 0 : i64, scratch_operands = 0 : i64, tpu.core_type = #tpu.core_type<tc>, window_params = [{transform_indices = @transform_0, window_bounds = array<i64: 2, 512, 512>}, {pipeline_mode = #tpu.pipeline_mode<synchronous>, transform_indices = @transform_1, window_bounds = array<i64: 1, 2048>}, {pipeline_mode = #tpu.pipeline_mode<synchronous>, transform_indices = @transform_2, window_bounds = array<i64: 2048, 256>}, {pipeline_mode = #tpu.pipeline_mode<synchronous>, transform_indices = @transform_3, window_bounds = array<i64: 256, 256>}, {pipeline_mode = #tpu.pipeline_mode<synchronous>, transform_indices = @transform_4, window_bounds = array<i64: 1, 256>}, {transform_indices = @transform_5, window_bounds = array<i64: 1, 1, 1024>}, {pipeline_mode = #tpu.pipeline_mode<synchronous>, transform_indices = @transform_6, window_bounds = array<i64: 1, 2048>}]} {
    %eq3A = arith.constant 0 : i32
    %eq3A_0 = arith.cmpi eq, %arg0, %eq3A : i32
    %convert_element_type3A = arith.extui %eq3A_0 : i1 to i32
    %cond3A = arith.constant 0 : i32
    %cond3A_1 = arith.cmpi ne, %convert_element_type3A, %cond3A : i32
    scf.if %cond3A_1 {
      %get3A_94 = arith.constant 0 : index
      %get3A_95 = arith.constant 0 : index
      %get3A_96 = vector.load %arg3[%get3A_94, %get3A_95] : memref<2048x256xf32, #tpu.memory_space<vmem>>, vector<2048x256xf32>
      %get3A_97 = arith.constant 0 : index
      %get3A_98 = arith.constant 0 : index
      %get3A_99 = vector.load %arg4[%get3A_97, %get3A_98] : memref<256x256xf32, #tpu.memory_space<vmem>>, vector<256x256xf32>
      %dot_general3A_100 = arith.constant dense<0.000000e+00> : vector<2048x256xf32>
      %dot_general3A_101 = tpu.matmul %get3A_96, %get3A_99, %dot_general3A_100 {dimension_numbers = #tpu.dot_dimension_numbers<[1], [0], [0], [1], [0, 0, 1, 1], [], []>, transpose_lhs_hint = false} : vector<2048x256xf32>, vector<256x256xf32>, vector<2048x256xf32> -> vector<2048x256xf32>
      %get3A_102 = arith.constant 0 : index
      %get3A_103 = arith.constant 0 : index
      %get3A_104 = vector.load %arg5[%get3A_102, %get3A_103] : memref<1x256xf32, #tpu.memory_space<vmem>>, vector<1x256xf32>
      %add3A_105 = vector.broadcast %get3A_104 : vector<1x256xf32> to vector<2048x256xf32>
      %add3A_106 = arith.addf %dot_general3A_101, %add3A_105 : vector<2048x256xf32>
      %sub3A_107 = arith.subf %add3A_106, %get3A_96 : vector<2048x256xf32>
      %mul3A_108 = arith.mulf %sub3A_107, %sub3A_107 : vector<2048x256xf32>
      %reduce_sum3A = arith.constant dense<0.000000e+00> : vector<2048xf32>
      %reduce_sum3A_109 = vector.multi_reduction <add>, %mul3A_108, %reduce_sum3A [1] : vector<2048x256xf32> to vector<2048xf32>
      %swap3A_110 = arith.constant 0 : index
      %swap3A_111 = arith.constant 0 : index
      %swap3A_112 = vector.load %arg7[%swap3A_110, %swap3A_111] : memref<1x2048xf32, #tpu.memory_space<vmem>>, vector<1x2048xf32>
      %swap3A_113 = vector.shape_cast %swap3A_112 : vector<1x2048xf32> to vector<2048xf32>
      %swap3A_114 = vector.shape_cast %reduce_sum3A_109 : vector<2048xf32> to vector<1x2048xf32>
      tpu.vector_store %arg7[%swap3A_110, %swap3A_111], %swap3A_114 {strides = array<i32>} : memref<1x2048xf32, #tpu.memory_space<vmem>>, vector<1x2048xf32>,
    } else {
    }
    %get3A = arith.constant 0 : index
    %get3A_2 = arith.constant 0 : index
    %get3A_3 = arith.constant 0 : index
    %get3A_4 = vector.load %arg1[%get3A, %get3A_2, %get3A_3] : memref<2x512x512xf32, #tpu.memory_space<vmem>>, vector<2x512x512xf32>
    %reshape3A = vector.shape_cast %get3A_4 : vector<2x512x512xf32> to vector<1024x512xf32>
    %slice3A = vector.extract_strided_slice %reshape3A {offsets = [0, 0], sizes = [1024, 256], strides = [1, 1]} : vector<1024x512xf32> to vector<1024x256xf32>
    %slice3A_5 = vector.extract_strided_slice %reshape3A {offsets = [0, 256], sizes = [1024, 256], strides = [1, 1]} : vector<1024x512xf32> to vector<1024x256xf32>
    %add3A = arith.addf %slice3A, %slice3A_5 : vector<1024x256xf32>
    %mul3A = arith.constant 5.000000e-01 : f32
    %mul3A_6 = vector.broadcast %mul3A : f32 to vector<1024x256xf32>
    %mul3A_7 = arith.mulf %add3A, %mul3A_6 : vector<1024x256xf32>
    %get3A_8 = arith.constant 0 : index
    %get3A_9 = arith.constant 0 : index
    %get3A_10 = vector.load %arg3[%get3A_8, %get3A_9] : memref<2048x256xf32, #tpu.memory_space<vmem>>, vector<2048x256xf32>
    %dot_general3A = arith.constant dense<0.000000e+00> : vector<1024x2048xf32>
    %dot_general3A_11 = tpu.matmul %mul3A_7, %get3A_10, %dot_general3A {dimension_numbers = #tpu.dot_dimension_numbers<[1], [1], [0], [0], [0, 0, 1, 0], [], []>, transpose_lhs_hint = false} : vector<1024x256xf32>, vector<2048x256xf32>, vector<1024x2048xf32> -> vector<1024x2048xf32>
    %mul3A_12 = arith.mulf %mul3A_7, %mul3A_7 : vector<1024x256xf32>
    %slice3A_13 = vector.extract_strided_slice %mul3A_12 {offsets = [0, 0], sizes = [1024, 128], strides = [1, 1]} : vector<1024x256xf32> to vector<1024x128xf32>
    %slice3A_14 = vector.extract_strided_slice %mul3A_12 {offsets = [0, 128], sizes = [1024, 128], strides = [1, 1]} : vector<1024x256xf32> to vector<1024x128xf32>
    %add3A_15 = arith.addf %slice3A_13, %slice3A_14 : vector<1024x128xf32>
    %roll3A = arith.constant 120 : i32
    %roll3A_16 = tpu.dynamic_rotate %add3A_15 by %roll3A dim 1 : vector<1024x128xf32>, i32 -> vector<1024x128xf32>
    %add3A_17 = arith.addf %add3A_15, %roll3A_16 : vector<1024x128xf32>
    %roll3A_18 = arith.constant 112 : i32
    %roll3A_19 = tpu.dynamic_rotate %add3A_15 by %roll3A_18 dim 1 : vector<1024x128xf32>, i32 -> vector<1024x128xf32>
    %add3A_20 = arith.addf %add3A_17, %roll3A_19 : vector<1024x128xf32>
    %roll3A_21 = arith.constant 104 : i32
    %roll3A_22 = tpu.dynamic_rotate %add3A_15 by %roll3A_21 dim 1 : vector<1024x128xf32>, i32 -> vector<1024x128xf32>
    %add3A_23 = arith.addf %add3A_20, %roll3A_22 : vector<1024x128xf32>
    %roll3A_24 = arith.constant 96 : i32
    %roll3A_25 = tpu.dynamic_rotate %add3A_15 by %roll3A_24 dim 1 : vector<1024x128xf32>, i32 -> vector<1024x128xf32>
    %add3A_26 = arith.addf %add3A_23, %roll3A_25 : vector<1024x128xf32>
    %roll3A_27 = arith.constant 88 : i32
    %roll3A_28 = tpu.dynamic_rotate %add3A_15 by %roll3A_27 dim 1 : vector<1024x128xf32>, i32 -> vector<1024x128xf32>
    %add3A_29 = arith.addf %add3A_26, %roll3A_28 : vector<1024x128xf32>
    %roll3A_30 = arith.constant 80 : i32
    %roll3A_31 = tpu.dynamic_rotate %add3A_15 by %roll3A_30 dim 1 : vector<1024x128xf32>, i32 -> vector<1024x128xf32>
    %add3A_32 = arith.addf %add3A_29, %roll3A_31 : vector<1024x128xf32>
    %roll3A_33 = arith.constant 72 : i32
    %roll3A_34 = tpu.dynamic_rotate %add3A_15 by %roll3A_33 dim 1 : vector<1024x128xf32>, i32 -> vector<1024x128xf32>
    %add3A_35 = arith.addf %add3A_32, %roll3A_34 : vector<1024x128xf32>
    %roll3A_36 = arith.constant 64 : i32
    %roll3A_37 = tpu.dynamic_rotate %add3A_15 by %roll3A_36 dim 1 : vector<1024x128xf32>, i32 -> vector<1024x128xf32>
    %add3A_38 = arith.addf %add3A_35, %roll3A_37 : vector<1024x128xf32>
    %roll3A_39 = arith.constant 56 : i32
    %roll3A_40 = tpu.dynamic_rotate %add3A_15 by %roll3A_39 dim 1 : vector<1024x128xf32>, i32 -> vector<1024x128xf32>
    %add3A_41 = arith.addf %add3A_38, %roll3A_40 : vector<1024x128xf32>
    %roll3A_42 = arith.constant 48 : i32
    %roll3A_43 = tpu.dynamic_rotate %add3A_15 by %roll3A_42 dim 1 : vector<1024x128xf32>, i32 -> vector<1024x128xf32>
    %add3A_44 = arith.addf %add3A_41, %roll3A_43 : vector<1024x128xf32>
    %roll3A_45 = arith.constant 40 : i32
    %roll3A_46 = tpu.dynamic_rotate %add3A_15 by %roll3A_45 dim 1 : vector<1024x128xf32>, i32 -> vector<1024x128xf32>
    %add3A_47 = arith.addf %add3A_44, %roll3A_46 : vector<1024x128xf32>
    %roll3A_48 = arith.constant 32 : i32
    %roll3A_49 = tpu.dynamic_rotate %add3A_15 by %roll3A_48 dim 1 : vector<1024x128xf32>, i32 -> vector<1024x128xf32>
    %add3A_50 = arith.addf %add3A_47, %roll3A_49 : vector<1024x128xf32>
    %roll3A_51 = arith.constant 24 : i32
    %roll3A_52 = tpu.dynamic_rotate %add3A_15 by %roll3A_51 dim 1 : vector<1024x128xf32>, i32 -> vector<1024x128xf32>
    %add3A_53 = arith.addf %add3A_50, %roll3A_52 : vector<1024x128xf32>
    %roll3A_54 = arith.constant 16 : i32
    %roll3A_55 = tpu.dynamic_rotate %add3A_15 by %roll3A_54 dim 1 : vector<1024x128xf32>, i32 -> vector<1024x128xf32>
    %add3A_56 = arith.addf %add3A_53, %roll3A_55 : vector<1024x128xf32>
    %roll3A_57 = arith.constant 8 : i32
    %roll3A_58 = tpu.dynamic_rotate %add3A_15 by %roll3A_57 dim 1 : vector<1024x128xf32>, i32 -> vector<1024x128xf32>
    %add3A_59 = arith.addf %add3A_56, %roll3A_58 : vector<1024x128xf32>
    %roll3A_60 = arith.constant 124 : i32
    %roll3A_61 = tpu.dynamic_rotate %add3A_59 by %roll3A_60 dim 1 : vector<1024x128xf32>, i32 -> vector<1024x128xf32>
    %add3A_62 = arith.addf %add3A_59, %roll3A_61 : vector<1024x128xf32>
    %roll3A_63 = arith.constant 126 : i32
    %roll3A_64 = tpu.dynamic_rotate %add3A_62 by %roll3A_63 dim 1 : vector<1024x128xf32>, i32 -> vector<1024x128xf32>
    %add3A_65 = arith.addf %add3A_62, %roll3A_64 : vector<1024x128xf32>
    %roll3A_66 = arith.constant 127 : i32
    %roll3A_67 = tpu.dynamic_rotate %add3A_65 by %roll3A_66 dim 1 : vector<1024x128xf32>, i32 -> vector<1024x128xf32>
    %add3A_68 = arith.addf %add3A_65, %roll3A_67 : vector<1024x128xf32>
    %slice3A_69 = vector.extract_strided_slice %add3A_68 {offsets = [0, 0], sizes = [1024, 1], strides = [1, 1]} : vector<1024x128xf32> to vector<1024x1xf32>
    %mul3A_70 = arith.constant 2.000000e+00 : f32
    %mul3A_71 = vector.broadcast %mul3A_70 : f32 to vector<1024x2048xf32>
    %mul3A_72 = arith.mulf %mul3A_71, %dot_general3A_11 : vector<1024x2048xf32>
    %sub3A = vector.broadcast %slice3A_69 : vector<1024x1xf32> to vector<1024x2048xf32>
    %sub3A_73 = arith.subf %sub3A, %mul3A_72 : vector<1024x2048xf32>
    %get3A_74 = arith.constant 0 : index
    %get3A_75 = arith.constant 0 : index
    %get3A_76 = vector.load %arg2[%get3A_74, %get3A_75] : memref<1x2048xf32, #tpu.memory_space<vmem>>, vector<1x2048xf32>
    %get3A_77 = vector.shape_cast %get3A_76 : vector<1x2048xf32> to vector<2048xf32>
    %broadcast_in_dim3A = vector.shape_cast %get3A_77 : vector<2048xf32> to vector<1x2048xf32>
    %add3A_78 = vector.broadcast %broadcast_in_dim3A : vector<1x2048xf32> to vector<1024x2048xf32>
    %add3A_79 = arith.addf %sub3A_73, %add3A_78 : vector<1024x2048xf32>
    %iota3A = tpu.iota {dimensions = array<i32: 1>} : vector<1024x2048xi32>
    %convert_element_type3A_80 = arith.sitofp %iota3A : vector<1024x2048xi32> to vector<1024x2048xf32>
    %reduce_min3A = arith.constant dense<0x7F800000> : vector<1024xf32>
    %reduce_min3A_81 = vector.multi_reduction <minimumf>, %add3A_79, %reduce_min3A [1] : vector<1024x2048xf32> to vector<1024xf32>
    %broadcast_in_dim3A_82 = vector.shape_cast %reduce_min3A_81 : vector<1024xf32> to vector<1024x1xf32>
    %eq3A_83 = vector.broadcast %broadcast_in_dim3A_82 : vector<1024x1xf32> to vector<1024x2048xf32>
    %eq3A_84 = arith.cmpf oeq, %add3A_79, %eq3A_83 : vector<1024x2048xf32>
    %jit3A = arith.constant 2.048000e+03 : f32
    %broadcast_in_dim3A_85 = vector.broadcast %jit3A : f32 to vector<1024x2048xf32>
    %select_n3A = arith.select %eq3A_84, %convert_element_type3A_80, %broadcast_in_dim3A_85 : vector<1024x2048xi1>, vector<1024x2048xf32>
    %reduce_min3A_86 = arith.constant dense<0x7F800000> : vector<1024xf32>
    %reduce_min3A_87 = vector.multi_reduction <minimumf>, %select_n3A, %reduce_min3A_86 [1] : vector<1024x2048xf32> to vector<1024xf32>
    %convert_element_type3A_88 = arith.fptosi %reduce_min3A_87 : vector<1024xf32> to vector<1024xi32>
    %swap3A = arith.constant 0 : index
    %swap3A_89 = arith.constant 0 : index
    %swap3A_90 = arith.constant 0 : index
    %swap3A_91 = vector.load %arg6[%swap3A, %swap3A_89, %swap3A_90] : memref<1x1x1024xi32, #tpu.memory_space<vmem>>, vector<1x1x1024xi32>
    %swap3A_92 = vector.shape_cast %swap3A_91 : vector<1x1x1024xi32> to vector<1024xi32>
    %swap3A_93 = vector.shape_cast %convert_element_type3A_88 : vector<1024xi32> to vector<1x1x1024xi32>
    tpu.vector_store %arg6[%swap3A, %swap3A_89, %swap3A_90], %swap3A_93 {strides = array<i32>} : memref<1x1x1024xi32, #tpu.memory_space<vmem>>, vector<1x1x1024xi32>,
    return
  }
  func.func @transform_0(%arg0: i32) -> (i32, i32, i32) {
    %c0_i32 = arith.constant 0 : i32
    %c0_i32_0 = arith.constant 0 : i32
    %c0_i32_1 = arith.constant 0 : i32
    return %arg0, %c0_i32, %c0_i32_0 : i32, i32, i32
  }
  func.func @transform_1(%arg0: i32) -> (i32, i32) {
    %c0_i32 = arith.constant 0 : i32
    %c0_i32_0 = arith.constant 0 : i32
    %c0_i32_1 = arith.constant 0 : i32
    return %c0_i32, %c0_i32_0 : i32, i32
  }
  func.func @transform_2(%arg0: i32) -> (i32, i32) {
    %c0_i32 = arith.constant 0 : i32
    %c0_i32_0 = arith.constant 0 : i32
    %c0_i32_1 = arith.constant 0 : i32
    return %c0_i32, %c0_i32_0 : i32, i32
  }
  func.func @transform_3(%arg0: i32) -> (i32, i32) {
    %c0_i32 = arith.constant 0 : i32
    %c0_i32_0 = arith.constant 0 : i32
    %c0_i32_1 = arith.constant 0 : i32
    return %c0_i32, %c0_i32_0 : i32, i32
  }
  func.func @transform_4(%arg0: i32) -> (i32, i32) {
    %c0_i32 = arith.constant 0 : i32
    %c0_i32_0 = arith.constant 0 : i32
    %c0_i32_1 = arith.constant 0 : i32
    return %c0_i32, %c0_i32_0 : i32, i32
  }
  func.func @transform_5(%arg0: i32) -> (i32, i32, i32) {
    %c0_i32 = arith.constant 0 : i32
    %c0_i32_0 = arith.constant 0 : i32
    %c0_i32_1 = arith.constant 0 : i32
    return %arg0, %c0_i32, %c0_i32_0 : i32, i32, i32
  }
  func.func @transform_6(%arg0: i32) -> (i32, i32) {
    %c0_i32 = arith.constant 0 : i32
    %c0_i32_0 = arith.constant 0 : i32
    %c0_i32_1 = arith.constant 0 : i32
    return %c0_i32, %c0_i32_0 : i32, i32
  }
}

</mosaic_0001>

<sc_bundles>
// kernel: kernel.4.cloned.1.call-start
scs
__scs_entry_jumppad:
0x0: {  	(pc) =	sbr.rel $0x88, $3  }
0x1: {  	(tag) =	ssettag $0x0;
	lr =	simm.s32 $0x1  }
0x2: {  	[smem:$0x3F9D] =	sst lr;
	_ =	strace $0xD0000000  }
0x3: {  	_ = 	snop  }
0x4: {  	_ = 	snop  }
0x5: {  	_ = 	snop  }
0x6: {  	_ = 	snop  }
0x7: {  	_ = 	snop  }
__scs_overlays_trampoline_lowered:
0x8: {  	[smem:$0x3FAC] =	sst s0  }
0x9: {  	[smem:$0x3FAD] =	sst s1  }
0xa: {  	[smem:$0x3FAE] =	sst s2  }
0xb: {  	[smem:$0x3FAF] =	sst s3  }
0xc: {  	[smem:$0x3FB0] =	sst s4  }
0xd: {  	[smem:$0x3FB1] =	sst s5  }
0xe: {  	[smem:$0x3FB2] =	sst s6  }
0xf: {  	[smem:$0x3FB3] =	sst s7  }
0x10: {  	[smem:$0x3FB4] =	sst s8  }
0x11: {  	[smem:$0x3FB5] =	sst s9;
	s0 =	simm.s32 @!p0 $0x0  }
0x12: {  	s1 =	sld [smem:$0x3F9B];
	s0 =	simm.s32 @p0 $0x1  }
0x13: {  	[smem:$0x3FB6] =	sst s0;
	s0 =	simm.s32 @!p1 $0x0  }
0x14: {  	s2 =	sld [smem:$0x3F9A];
	s0 =	simm.s32 @p1 $0x1  }
0x15: {  	[smem:$0x3FB7] =	sst s0;
	s0 =	simm.s32 @!p2 $0x0  }
0x16: {  	s3 =	sld [smem:$0x3FDB];
	s0 =	simm.s32 @p2 $0x1  }
0x17: {  	s4 =	simm.s32 $0x1BF5;
	[smem:$0x3FB9] =	sst s0  }
0x18: {  	s0 =	sld [smem:$0x3F9C];
	_ =	swait.ge [sflag:s4], $0x0  }
0x19: {  	s7 =	sld [smem:$0x3F9D]  }
0x1a: {  	s8 =	sadd.s32 $0xFFFFE003, lr  }
0x1b: {  	s9 =	sadd.s32 $0xFFFFFEF7, lr;
	s5 =	simm.s32 $0xFFFFFFFF;
	p2 =	slt.u32 s8, $0xFFFFF086  }
0x1c: {  	p1 =	slt.u32 s9, $0xF7A;
	s5 =	simm.s32 @!p2 $0x0  }
0x1d: {  	s5 =	simm.s32 @p1 $0x1;
	p0 =	seq.s32 s7, s2  }
0x1e: {  	s7 =	smul.u32 @!p0 $0xF7A, s2;
	p2 =	seq.s32 @!p0 s5, $0x0  }
0x1f: {  	s9 =	smul.u32 $0xF7A, s1;
	s8 =	simm.s32 @!p0 $0x1BF5;
	p2 =	por !p2, p0  }
0x20: {  	[sflag:s8] =	ssyncset.s32 @!p0 $0xFFFFF086;
	s6 =	sadd.s32 @!p0 s3, s7;
	s7 =	simm.s32 @!p0 $0x108  }
0x21: {  	s3 =	sadd.s32 s3, s9;
	s6 =	sadd.s32 @!p0 $0x88, s6;
	s7 =	simm.s32 @p2 $0x1082  }
0x22: {  	[simem:s7], [sflag:s8] =	dma.local @!p0 [hbm:s6], $0xF7A  }
0x23: {  	s9 =	sor.u32 $0xD0000000, s2;
	s6 =	simm.s32 $0x108;
	_ =	swait.ge @!p0 [sflag:s8], $0x0  }
0x24: {  	s3 =	sadd.s32 $0x88, s3;
	s6 =	simm.s32 @!p1 $0x1082;
	[sflag:s4] =	ssyncset.s32 $0xFFFFF086  }
0x25: {  	[simem:s6], [sflag:s4] =	dma.local [hbm:s3], $0xF7A  }
0x26: {  	[smem:$0x3F9D] =	sst s1;
	(tag) =	ssettag s2;
	_ =	strace s9  }
0x27: {  	s1 =	sld [smem:$0x3FAD]  }
0x28: {  	s2 =	sld [smem:$0x3FAE]  }
0x29: {  	s4 =	sld [smem:$0x3FB0]  }
0x2a: {  	p0 =	seq.s32 s5, $0x0;
	s5 =	sld [smem:$0x3FB1]  }
0x2b: {  	s6 =	sld [smem:$0x3FB2]  }
0x2c: {  	s7 =	sld [smem:$0x3FB3]  }
0x2d: {  	s3 =	simm.s32 $0x108;
	s8 =	sld [smem:$0x3FB4]  }
0x2e: {  	s3 =	simm.s32 @!p0 $0x1082;
	s9 =	sld [smem:$0x3FB5]  }
0x2f: {  	lr =	sadd.s32 s0, s3;
	s0 =	sld [smem:$0x3FAC]  }
0x30: {  	s3 =	sld [smem:$0x3FAF]  }
0x31: {  	[smem:$0x3FB8] =	sst s10  }
0x32: {  	s10 =	sld [smem:$0x3FB6];
	_ =	sdelay $0x3  }
0x33: {  	p0 =	seq.s32 s10, $0x1;
	s10 =	sld [smem:$0x3FB8];
	_ =	sdelay $0x3  }
0x34: {  	[smem:$0x3FB8] =	sst s10  }
0x35: {  	s10 =	sld [smem:$0x3FB7];
	_ =	sdelay $0x3  }
0x36: {  	p1 =	seq.s32 s10, $0x1;
	s10 =	sld [smem:$0x3FB8];
	_ =	sdelay $0x3  }
0x37: {  	[smem:$0x3FB8] =	sst s10  }
0x38: {  	s10 =	sld [smem:$0x3FB9]  }
0x39: {  	_ = 	snop;
	(pc) =	sbr.ind lr, $3  }
0x3a: {  	_ = 	snop  }
0x3b: {  	_ = 	snop  }
0x3c: {  	p2 =	seq.s32 s10, $0x1;
	s10 =	sld [smem:$0x3FB8]  }
0x3d: {  	_ =	shalt  }
0x3e: {  	_ =	shalt  }
0x3f: {  	_ =	shalt  }
0x40: {  	_ =	shalt  }
0x41: {  	_ =	shalt  }
0x42: {  	_ =	shalt  }
0x43: {  	_ =	shalt  }
0x44: {  	_ =	shalt  }
0x45: {  	_ =	shalt  }
0x46: {  	_ =	shalt  }
0x47: {  	_ =	shalt  }
0x48: {  	_ =	shalt  }
0x49: {  	_ =	shalt  }
0x4a: {  	_ =	shalt  }
0x4b: {  	_ =	shalt  }
0x4c: {  	_ =	shalt  }
0x4d: {  	_ =	shalt  }
0x4e: {  	_ =	shalt  }
0x4f: {  	_ =	shalt  }
0x50: {  	_ =	shalt  }
0x51: {  	_ =	shalt  }
0x52: {  	_ =	shalt  }
0x53: {  	_ =	shalt  }
0x54: {  	_ =	shalt  }
0x55: {  	_ =	shalt  }
0x56: {  	_ =	shalt  }
0x57: {  	_ =	shalt  }
0x58: {  	_ =	shalt  }
0x59: {  	_ =	shalt  }
0x5a: {  	_ =	shalt  }
0x5b: {  	_ =	shalt  }
0x5c: {  	_ =	shalt  }
0x5d: {  	_ =	shalt  }
0x5e: {  	_ =	shalt  }
0x5f: {  	_ =	shalt  }
0x60: {  	_ =	shalt  }
0x61: {  	_ =	shalt  }
0x62: {  	_ =	shalt  }
0x63: {  	_ =	shalt  }
0x64: {  	_ =	shalt  }
0x65: {  	_ =	shalt  }
0x66: {  	_ =	shalt  }
0x67: {  	_ =	shalt  }
0x68: {  	_ =	shalt  }
0x69: {  	_ =	shalt  }
0x6a: {  	_ =	shalt  }
0x6b: {  	_ =	shalt  }
0x6c: {  	_ =	shalt  }
0x6d: {  	_ =	shalt  }
0x6e: {  	_ =	shalt  }
0x6f: {  	_ =	shalt  }
0x70: {  	_ =	shalt  }
0x71: {  	_ =	shalt  }
0x72: {  	_ =	shalt  }
0x73: {  	_ =	shalt  }
0x74: {  	_ =	shalt  }
0x75: {  	_ =	shalt  }
0x76: {  	_ =	shalt  }
0x77: {  	_ =	shalt  }
0x78: {  	_ =	shalt  }
0x79: {  	_ =	shalt  }
0x7a: {  	_ =	shalt  }
0x7b: {  	_ =	shalt  }
0x7c: {  	_ =	shalt  }
0x7d: {  	_ =	shalt  }
0x7e: {  	_ =	shalt  }
0x7f: {  	_ =	shalt  }
0x80: {  	_ =	shalt  }
0x81: {  	_ =	shalt  }
0x82: {  	_ =	shalt  }
0x83: {  	_ =	shalt  }
0x84: {  	_ =	shalt  }
0x85: {  	_ =	shalt  }
0x86: {  	_ =	shalt  }
0x87: {  	_ =	shalt  }
.Lfunc_end0:
.L_simem_size_0:
called_computation_lowered:
.L_overlay_start_0:
0x88: {  	s2 =	sld [smem:$0x3FD9]  }
0x89: {  	s3 =	sld [smem:$0x3FFE];
	_ =	sdelay $0x1  }
0x8a: {  	s1 =	srdreg.scid  }
0x8b: {  	s0 =	sand.u32 $0x1, s1  }
0x8c: {  	s14 =	sshll.u32 s0, $0xA;
	s2 =	sadd.s32 s3, s2  }
0x8d: {  	s2 =	sadd.s32 s2, s14  }
0x8e: {  	[smem:$0x3FC4] =	sst s2  }
0x8f: {  	_ = 	snop  }
0x90: {  	s2 =	sld [smem:$0x3FD0];
	_ =	sdelay $0x2  }
0x91: {  	s4 =	simm.s32 $0xA;
	s5 =	simm.s32 $0x10;
	s15 =	sld [smem:$0x3FC8]  }
0x92: {  	[smem:s5], [sflag:s4] =	dma.local [hbm:s2], $0x1  }
0x93: {  	_ =	swait.eq [sflag:s4], $0x1  }
0x94: {  	[sflag:s4] =	ssyncset.done $0x0  }
0x95: {  	[sflag:s4] =	ssyncadd.s32 $0xFFFFFFFF  }
0x96: {  	s16 =	sld [smem:$0x11];
	(tm) =	ssettm $0x1  }
0x97: {  	s17 =	sld [smem:$0x3FFB];
	_ =	sdelay $0x3  }
0x98: {  	_ =	strace s17  }
0x99: {  	s4 =	sld [smem:$0x3FFC];
	_ =	sdelay $0x3  }
0x9a: {  	_ =	strace s4  }
0x9b: {  	s4 =	sld [smem:$0x3FFD];
	_ =	sdelay $0x3  }
0x9c: {  	_ =	strace s4  }
0x9d: {  	_ =	strace $0x8FFFFFFF  }
0x9e: {  	s18 =	sld [smem:$0x3FDB];
	_ =	sdelay $0x1  }
0x9f: {  	s19 =	simm.s32 $_scs_section_size  }
0xa0: {  	s6 =	simm.s32 $_size__tile_overlayer_lowered;
	s7 =	simm.s32 $_tile_overlayer_lowered  }
0xa1: {  	s22 =	simm.s32 $0x1BFF;
	s21 =	sshll.u32 s7, $0x1;
	s4 =	sadd.s32 s19, s18  }
0xa2: {  	s8 =	simm.s32 $0x0;
	s20 =	sshll.u32 s6, $0x1;
	s6 =	sadd.s32 s21, s4  }
0xa3: {  	[timem:s8], [sflag:s22] =	dma.local [hbm:s6], s20  }
0xa4: {  	_ =	swait.ge [sflag:s22], s20  }
0xa5: {  	s5 =	ssub.s32 $0x0, s20;
	[sflag:s22] =	ssyncset.done $0x0  }
0xa6: {  	[sflag:s22] =	ssyncadd.s32 s5;
	_ =	sdelay $0x1  }
0xa7: {  	s23 =	simm.s32 $0x1B8B  }
0xa8: {  	_ =	swait.ge [sflag:s23], $0x1  }
0xa9: {  	[sflag:s23] =	ssyncset.done $0x0  }
0xaa: {  	s25 =	simm.s32 $0x1B8E;
	s24 =	sld [smem:$0x3FFE];
	[sflag:s23] =	ssyncadd.s32 $0xFFFFFFFF  }
0xab: {  	s26 =	simm.s32 $execute0_lowered;
	[smem:$0x3FD2] =	sst s25  }
0xac: {  	s6 =	sshll.u32 s26, $0x1;
	_ =	strace $0x80000046;
	[dreg:$0x1] =	wrdreg $0xFFFFFFFF  }
0xad: {  	s28 =	simm.s32 $_size_execute0_lowered;
	s4 =	sadd.s32 s4, s6;
	[dreg:$0x0] =	wrdreg $0x0  }
0xae: {  	s6 =	sshll.u32 s28, $0x1;
	[dreg:$0x2] =	wrdreg s4  }
0xaf: {  	[dreg:$0x3] =	wrdreg s6  }
0xb0: {  	[dreg:$0x4] =	wrdreg $0xC0  }
0xb1: {  	_ =	task [dreg:s8], $0x5FFFF  }
0xb2: {  	[dreg:$0x1] =	wrdreg $0xFFFFFFFF  }
0xb3: {  	[dreg:$0x0] =	wrdreg $0x60  }
0xb4: {  	[dreg:$0x2] =	wrdreg s24  }
0xb5: {  	[dreg:$0x3] =	wrdreg s15  }
0xb6: {  	[dreg:$0x4] =	wrdreg s16  }
0xb7: {  	[dreg:$0x5] =	wrdreg $0x9  }
0xb8: {  	_ =	task.clear_ibuf [dreg:s8], $0x6FFFF;
	_ =	strace $0x90000046  }
0xb9: {  	s29 =	simm.s32 $0x9;
	_ =	strace $0x80000048  }
0xba: {  	_ =	swait.ge [sflag:s29], $0x1  }
0xbb: {  	[sflag:s29] =	ssyncadd.s32 $0xFFFFFFFF  }
0xbc: {  	_ =	strace $0x90000048  }
0xbd: {  	_ =	sfence  }
0xbe: {  	s30 =	sld [smem:$0x0];
	_ =	sdelay $0x2  }
0xbf: {  	s31 =	sshll.u32 s1, $0xD;
	s1 =	sshrl.u32 s1, $0x2  }
0xc0: {  	s3 =	sand.u32 $0x4000, s31;
	s1 =	sadd.s32 s1, s30  }
0xc1: {  	s0 =	sor.u32 s3, s0;
	s1 =	sshll.u32 s1, $0x11  }
0xc2: {  	s0 =	sor.u32 s1, s0  }
0xc3: {  	s0 =	sadd.s32 $0x8F2B, s0  }
0xc4: {  	[sflag:s0] =	ssyncadd.remote.s32 $0x1  }
0xc5: {  	_ =	sfence.sel $0xFFFF  }
0xc6: {  	[dreg:$0x0] =	wrdreg $0xFFFFFFFF;
	(pc) =	sbr.abs _section_cstart, $3  }
0xc7: {  	[dreg:$0x1] =	wrdreg $0xFFFFFFFF  }
0xc8: {  	_ =	task.clear_ibuf [dreg:s8], $0x2FFFF;
	_ =	strace $0x9FFFFFFF  }
0xc9: {  	(tm) =	ssettm $0x7FFFFFFF  }
tec
execute0_lowered:
.L_overlay_start_1:
0x0: {  	(tag) =	ssettag $0x1  }
0x1: {  	s1 =	rddreg [dreg:$0x0]  }
0x2: {  	s2 =	rddreg [dreg:$0x1]  }
0x3: {  	s3 =	srdreg.scid;
	s0 =	stileid.u32  }
0x4: {  	s4 =	rddreg [dreg:$0x2];
	s14 =	simm.s32 $0x900;
	s15 =	simm.s32 $0x1100  }
0x5: {  	s16 =	simm.s32 $0x1900;
	s5 =	sand.u32 $0x1, s3;
	s3 =	simm.s32 $0x0  }
0x6: {  	s17 =	simm.s32 $0x2100;
	s18 =	simm.s32 $0x2900;
	[smem:$0x7FF] =	sst s3  }
0x7: {  	s19 =	simm.s32 $0x3100;
	_ =	strace $0x80000047;
	[dreg:$0x7] =	wrdreg s14  }
0x8: {  	s20 =	simm.s32 $0x3900;
	s21 =	simm.s32 $0x4100;
	[dreg:$0x8] =	wrdreg s15  }
0x9: {  	s22 =	simm.s32 $0x4900;
	s24 =	simm.s32 $0x5100;
	[dreg:$0x9] =	wrdreg s16  }
0xa: {  	s25 =	simm.s32 $0x5900;
	s26 =	simm.s32 $0x6100;
	[dreg:$0xa] =	wrdreg s17  }
0xb: {  	s9 =	simm.s32 $0x7100;
	s10 =	simm.s32 $0x7900;
	[dreg:$0xb] =	wrdreg s18  }
0xc: {  	s11 =	simm.s32 $0x8100;
	s12 =	simm.s32 $0x8900;
	[dreg:$0xc] =	wrdreg s19  }
0xd: {  	s28 =	simm.s32 $0x80;
	s29 =	simm.s32 $0x10100;
	[dreg:$0xd] =	wrdreg s20  }
0xe: {  	s30 =	simm.s32 $0x10180;
	s6 =	sshll.u32 s0, $0x1;
	[dreg:$0xe] =	wrdreg s21  }
0xf: {  	s31 =	simm.s32 $0x1;
	s6 =	sor.u32 s5, s6;
	[dreg:$0xf] =	wrdreg s22  }
0x10: {  	s5 =	ssub.s32 $0x2, s5;
	s7 =	sshll.u32 s6, $0x5;
	[dreg:$0x10] =	wrdreg s24  }
0x11: {  	s8 =	sshll.u32 s6, $0x4;
	s6 =	sshll.u32 s6, $0xD;
	[dreg:$0x11] =	wrdreg s25  }
0x12: {  	s23 =	sshrl.u32 s5, $0x1;
	[dreg:$0x12] =	wrdreg s26;
	s14 =	simm.s32 $0x9900  }
0x13: {  	s15 =	simm.s32 $0xA100;
	s16 =	simm.s32 $0xA900;
	s17 =	simm.s32 $0xB100  }
0x14: {  	s18 =	simm.s32 $0xB900;
	s19 =	simm.s32 $0xC100;
	s20 =	simm.s32 $0xC900  }
0x15: {  	s21 =	simm.s32 $0xD100;
	s22 =	simm.s32 $0xD900;
	s24 =	simm.s32 $0xE900  }
0x16: {  	s25 =	simm.s32 $0xF100;
	s26 =	simm.s32 $0xF900;
	s7 =	sadd.s32 s7, s1  }
0x17: {  	s8 =	sadd.s32 s8, s1;
	s4 =	sadd.s32 s4, s6;
	s5 =	ssub.s32 s5, s23  }
0x18: {  	s6 =	simm.s32 $0x2;
	s23 =	simm.s32 $0xE100;
	s7 =	sadd.s32 $0x400, s7  }
0x19: {  	v2 =	vlaneseq.u32;
	[dreg:$0x5] =	wrdreg s4;
	s13 =	sadd.s32 $0xA00, s8;
	s4 =	sadd.s32 $0x800, s1  }
0x1a: {  	vm0 =	vmmov $0xffff;
	v1 =	vshrl.u32 v2, $0x3;
	s5 =	smax.u32 s5, $0x1;
	s1 =	simm.s32 $0x10200;
	[dreg:$0x4] =	wrdreg s7  }
0x1b: {  	v0 =	vand.u32 $0x7, v2;
	v2 =	vor.u32 $0x8, v2;
	v1 =	vmul.u32 $0x8, v1;
	[dreg:$0x6] =	wrdreg s13;
	s7 =	simm.s32 $0x100;
	s13 =	simm.s32 $0x9100  }
.LBB2_1:
0x1c: {  	s0 =	rddreg [dreg:$0x4]  }
0x1d: {  	[tilespmem:s3], [sflag:$0x2] =	stream.linear.gather [hbm4b:s0+s3], $0x100, $0x38;
	[tilespmem:$0x10280] =	vst v63  }
0x1e: {  	_ =	swait.ge [sflag:s6], $0x100  }
0x1f: {  	[sflag:s6] =	ssyncset.done $0x0  }
0x20: {  	[sflag:s6] =	ssyncadd.s32 $0xFFFFFF00  }
0x21: {  	v3 =	vld [tilespmem:$0x0];
	_ =	sdelay $0x4  }
0x22: {  	v4 =	vshll.u32 v3, $0x1  }
0x23: {  	v3 =	vand.u32 $0x7, v3;
	v4 =	vand.u32 $0xFFFFFFF0, v4  }
0x24: {  	v3 =	vor.u32 v3, v4  }
0x25: {  	v4 =	vperm.xlane v3, v0;
	_ =	sdelay $0x1  }
0x26: {  	v3 =	vperm.xlane v3, v2;
	v4 =	vadd.s32 v1, v4;
	_ =	sdelay $0x1  }
0x27: {  	v3 =	vadd.s32 v1, v3;
	_ =	sdelay $0x2  }
0x28: {  	[tilespmem:s7], [sflag:$0x1] =	stream.indirect_vreg.gather [hbm4b:s2+s3], $0x80, v4, vm0, $0xb8;
	[tilespmem:$0x10280] =	vst v63  }
0x29: {  	s8 =	rddreg [dreg:$0x7]  }
0x2a: {  	[tilespmem:s8], [sflag:$0x1] =	stream.indirect_vreg.gather [hbm4b:s2+s3], $0x80, v3, vm0, $0xb8;
	[tilespmem:$0x10280] =	vst v63  }
0x2b: {  	v3 =	vld [tilespmem:$0x10];
	_ =	sdelay $0x4  }
0x2c: {  	v36 =	vshll.u32 v3, $0x1  }
0x2d: {  	v3 =	vand.u32 $0x7, v3;
	v4 =	vand.u32 $0xFFFFFFF0, v36  }
0x2e: {  	v3 =	vor.u32 v3, v4  }
0x2f: {  	v4 =	vperm.xlane v3, v0;
	_ =	sdelay $0x1  }
0x30: {  	v3 =	vperm.xlane v3, v2;
	v4 =	vadd.s32 v1, v4;
	_ =	sdelay $0x1  }
0x31: {  	v3 =	vadd.s32 v1, v3;
	_ =	sdelay $0x1  }
0x32: {  	s0 =	rddreg [dreg:$0x8]  }
0x33: {  	[tilespmem:s0], [sflag:$0x1] =	stream.indirect_vreg.gather [hbm4b:s2+s3], $0x80, v4, vm0, $0xb8;
	[tilespmem:$0x10280] =	vst v63  }
0x34: {  	s8 =	rddreg [dreg:$0x9]  }
0x35: {  	[tilespmem:s8], [sflag:$0x1] =	stream.indirect_vreg.gather [hbm4b:s2+s3], $0x80, v3, vm0, $0xb8;
	[tilespmem:$0x10280] =	vst v63  }
0x36: {  	v3 =	vld [tilespmem:$0x20];
	_ =	sdelay $0x4  }
0x37: {  	v37 =	vshll.u32 v3, $0x1  }
0x38: {  	v3 =	vand.u32 $0x7, v3;
	v4 =	vand.u32 $0xFFFFFFF0, v37  }
0x39: {  	v3 =	vor.u32 v3, v4  }
0x3a: {  	v4 =	vperm.xlane v3, v0;
	_ =	sdelay $0x1  }
0x3b: {  	v3 =	vperm.xlane v3, v2;
	v4 =	vadd.s32 v1, v4;
	_ =	sdelay $0x1  }
0x3c: {  	v3 =	vadd.s32 v1, v3;
	_ =	sdelay $0x1  }
0x3d: {  	s0 =	rddreg [dreg:$0xa]  }
0x3e: {  	[tilespmem:s0], [sflag:$0x1] =	stream.indirect_vreg.gather [hbm4b:s2+s3], $0x80, v4, vm0, $0xb8;
	[tilespmem:$0x10280] =	vst v63  }
0x3f: {  	s8 =	rddreg [dreg:$0xb]  }
0x40: {  	[tilespmem:s8], [sflag:$0x1] =	stream.indirect_vreg.gather [hbm4b:s2+s3], $0x80, v3, vm0, $0xb8;
	[tilespmem:$0x10280] =	vst v63  }
0x41: {  	v3 =	vld [tilespmem:$0x30];
	_ =	sdelay $0x4  }
0x42: {  	v38 =	vshll.u32 v3, $0x1  }
0x43: {  	v3 =	vand.u32 $0x7, v3;
	v4 =	vand.u32 $0xFFFFFFF0, v38  }
0x44: {  	v3 =	vor.u32 v3, v4  }
0x45: {  	v4 =	vperm.xlane v3, v0;
	_ =	sdelay $0x1  }
0x46: {  	v3 =	vperm.xlane v3, v2;
	v4 =	vadd.s32 v1, v4;
	_ =	sdelay $0x1  }
0x47: {  	v3 =	vadd.s32 v1, v3;
	_ =	sdelay $0x1  }
0x48: {  	s0 =	rddreg [dreg:$0xc]  }
0x49: {  	[tilespmem:s0], [sflag:$0x1] =	stream.indirect_vreg.gather [hbm4b:s2+s3], $0x80, v4, vm0, $0xb8;
	[tilespmem:$0x10280] =	vst v63  }
0x4a: {  	s8 =	rddreg [dreg:$0xd]  }
0x4b: {  	[tilespmem:s8], [sflag:$0x1] =	stream.indirect_vreg.gather [hbm4b:s2+s3], $0x80, v3, vm0, $0xb8;
	[tilespmem:$0x10280] =	vst v63  }
0x4c: {  	v3 =	vld [tilespmem:$0x40];
	_ =	sdelay $0x4  }
0x4d: {  	v39 =	vshll.u32 v3, $0x1  }
0x4e: {  	v3 =	vand.u32 $0x7, v3;
	v4 =	vand.u32 $0xFFFFFFF0, v39  }
0x4f: {  	v3 =	vor.u32 v3, v4  }
0x50: {  	v4 =	vperm.xlane v3, v0;
	_ =	sdelay $0x1  }
0x51: {  	v3 =	vperm.xlane v3, v2;
	v4 =	vadd.s32 v1, v4;
	_ =	sdelay $0x1  }
0x52: {  	v3 =	vadd.s32 v1, v3;
	_ =	sdelay $0x1  }
0x53: {  	s0 =	rddreg [dreg:$0xe]  }
0x54: {  	[tilespmem:s0], [sflag:$0x1] =	stream.indirect_vreg.gather [hbm4b:s2+s3], $0x80, v4, vm0, $0xb8;
	[tilespmem:$0x10280] =	vst v63  }
0x55: {  	s8 =	rddreg [dreg:$0xf]  }
0x56: {  	[tilespmem:s8], [sflag:$0x1] =	stream.indirect_vreg.gather [hbm4b:s2+s3], $0x80, v3, vm0, $0xb8;
	[tilespmem:$0x10280] =	vst v63  }
0x57: {  	v3 =	vld [tilespmem:$0x50];
	_ =	sdelay $0x4  }
0x58: {  	v40 =	vshll.u32 v3, $0x1  }
0x59: {  	v3 =	vand.u32 $0x7, v3;
	v4 =	vand.u32 $0xFFFFFFF0, v40  }
0x5a: {  	v3 =	vor.u32 v3, v4  }
0x5b: {  	v4 =	vperm.xlane v3, v0;
	_ =	sdelay $0x1  }
0x5c: {  	v3 =	vperm.xlane v3, v2;
	v4 =	vadd.s32 v1, v4;
	_ =	sdelay $0x1  }
0x5d: {  	v3 =	vadd.s32 v1, v3;
	_ =	sdelay $0x1  }
0x5e: {  	s0 =	rddreg [dreg:$0x10]  }
0x5f: {  	[tilespmem:s0], [sflag:$0x1] =	stream.indirect_vreg.gather [hbm4b:s2+s3], $0x80, v4, vm0, $0xb8;
	[tilespmem:$0x10280] =	vst v63  }
0x60: {  	s8 =	rddreg [dreg:$0x11]  }
0x61: {  	[tilespmem:s8], [sflag:$0x1] =	stream.indirect_vreg.gather [hbm4b:s2+s3], $0x80, v3, vm0, $0xb8;
	[tilespmem:$0x10280] =	vst v63  }
0x62: {  	v3 =	vld [tilespmem:$0x60];
	_ =	sdelay $0x4  }
0x63: {  	v41 =	vshll.u32 v3, $0x1  }
0x64: {  	v3 =	vand.u32 $0x7, v3;
	v4 =	vand.u32 $0xFFFFFFF0, v41  }
0x65: {  	v3 =	vor.u32 v3, v4  }
0x66: {  	v4 =	vperm.xlane v3, v0;
	_ =	sdelay $0x1  }
0x67: {  	v3 =	vperm.xlane v3, v2;
	v4 =	vadd.s32 v1, v4;
	_ =	sdelay $0x1  }
0x68: {  	v3 =	vadd.s32 v1, v3;
	_ =	sdelay $0x1  }
0x69: {  	s8 =	rddreg [dreg:$0x12]  }
0x6a: {  	[tilespmem:s8], [sflag:$0x1] =	stream.indirect_vreg.gather [hbm4b:s2+s3], $0x80, v4, vm0, $0xb8;
	[tilespmem:$0x10280] =	vst v63  }
0x6b: {  	s8 =	simm.s32 $0x6900  }
0x6c: {  	[tilespmem:s8], [sflag:$0x1] =	stream.indirect_vreg.gather [hbm4b:s2+s3], $0x80, v3, vm0, $0xb8;
	[tilespmem:$0x10280] =	vst v63  }
0x6d: {  	v3 =	vld [tilespmem:$0x70];
	_ =	sdelay $0x4  }
0x6e: {  	v42 =	vshll.u32 v3, $0x1  }
0x6f: {  	v3 =	vand.u32 $0x7, v3;
	v4 =	vand.u32 $0xFFFFFFF0, v42  }
0x70: {  	v3 =	vor.u32 v3, v4  }
0x71: {  	v4 =	vperm.xlane v3, v0;
	_ =	sdelay $0x1  }
0x72: {  	v3 =	vperm.xlane v3, v2;
	v4 =	vadd.s32 v1, v4;
	_ =	sdelay $0x1  }
0x73: {  	v3 =	vadd.s32 v1, v3;
	_ =	sdelay $0x2  }
0x74: {  	[tilespmem:s9], [sflag:$0x1] =	stream.indirect_vreg.gather [hbm4b:s2+s3], $0x80, v4, vm0, $0xb8;
	[tilespmem:$0x10280] =	vst v63  }
0x75: {  	_ = 	snop  }
0x76: {  	[tilespmem:s10], [sflag:$0x1] =	stream.indirect_vreg.gather [hbm4b:s2+s3], $0x80, v3, vm0, $0xb8;
	[tilespmem:$0x10280] =	vst v63  }
0x77: {  	v3 =	vld [tilespmem:$0x80];
	_ =	sdelay $0x4  }
0x78: {  	v43 =	vshll.u32 v3, $0x1  }
0x79: {  	v3 =	vand.u32 $0x7, v3;
	v4 =	vand.u32 $0xFFFFFFF0, v43  }
0x7a: {  	v3 =	vor.u32 v3, v4  }
0x7b: {  	v4 =	vperm.xlane v3, v0;
	_ =	sdelay $0x1  }
0x7c: {  	v3 =	vperm.xlane v3, v2;
	v4 =	vadd.s32 v1, v4;
	_ =	sdelay $0x1  }
0x7d: {  	v3 =	vadd.s32 v1, v3;
	_ =	sdelay $0x2  }
0x7e: {  	[tilespmem:s11], [sflag:$0x1] =	stream.indirect_vreg.gather [hbm4b:s2+s3], $0x80, v4, vm0, $0xb8;
	[tilespmem:$0x10280] =	vst v63  }
0x7f: {  	_ = 	snop  }
0x80: {  	[tilespmem:s12], [sflag:$0x1] =	stream.indirect_vreg.gather [hbm4b:s2+s3], $0x80, v3, vm0, $0xb8;
	[tilespmem:$0x10280] =	vst v63  }
0x81: {  	v3 =	vld [tilespmem:$0x90];
	_ =	sdelay $0x4  }
0x82: {  	v44 =	vshll.u32 v3, $0x1  }
0x83: {  	v3 =	vand.u32 $0x7, v3;
	v4 =	vand.u32 $0xFFFFFFF0, v44  }
0x84: {  	v3 =	vor.u32 v3, v4  }
0x85: {  	v4 =	vperm.xlane v3, v0;
	_ =	sdelay $0x1  }
0x86: {  	v3 =	vperm.xlane v3, v2;
	v4 =	vadd.s32 v1, v4;
	_ =	sdelay $0x1  }
0x87: {  	v3 =	vadd.s32 v1, v3;
	_ =	sdelay $0x2  }
0x88: {  	[tilespmem:s13], [sflag:$0x1] =	stream.indirect_vreg.gather [hbm4b:s2+s3], $0x80, v4, vm0, $0xb8;
	[tilespmem:$0x10280] =	vst v63  }
0x89: {  	_ = 	snop  }
0x8a: {  	[tilespmem:s14], [sflag:$0x1] =	stream.indirect_vreg.gather [hbm4b:s2+s3], $0x80, v3, vm0, $0xb8;
	[tilespmem:$0x10280] =	vst v63  }
0x8b: {  	v3 =	vld [tilespmem:$0xA0];
	_ =	sdelay $0x4  }
0x8c: {  	v45 =	vshll.u32 v3, $0x1  }
0x8d: {  	v3 =	vand.u32 $0x7, v3;
	v4 =	vand.u32 $0xFFFFFFF0, v45  }
0x8e: {  	v3 =	vor.u32 v3, v4  }
0x8f: {  	v4 =	vperm.xlane v3, v0;
	_ =	sdelay $0x1  }
0x90: {  	v3 =	vperm.xlane v3, v2;
	v4 =	vadd.s32 v1, v4;
	_ =	sdelay $0x1  }
0x91: {  	v3 =	vadd.s32 v1, v3;
	_ =	sdelay $0x2  }
0x92: {  	[tilespmem:s15], [sflag:$0x1] =	stream.indirect_vreg.gather [hbm4b:s2+s3], $0x80, v4, vm0, $0xb8;
	[tilespmem:$0x10280] =	vst v63  }
0x93: {  	_ = 	snop  }
0x94: {  	[tilespmem:s16], [sflag:$0x1] =	stream.indirect_vreg.gather [hbm4b:s2+s3], $0x80, v3, vm0, $0xb8;
	[tilespmem:$0x10280] =	vst v63  }
0x95: {  	v3 =	vld [tilespmem:$0xB0];
	_ =	sdelay $0x4  }
0x96: {  	v46 =	vshll.u32 v3, $0x1  }
0x97: {  	v3 =	vand.u32 $0x7, v3;
	v4 =	vand.u32 $0xFFFFFFF0, v46  }
0x98: {  	v3 =	vor.u32 v3, v4  }
0x99: {  	v4 =	vperm.xlane v3, v0;
	_ =	sdelay $0x1  }
0x9a: {  	v3 =	vperm.xlane v3, v2;
	v4 =	vadd.s32 v1, v4;
	_ =	sdelay $0x1  }
0x9b: {  	v3 =	vadd.s32 v1, v3;
	_ =	sdelay $0x2  }
0x9c: {  	[tilespmem:s17], [sflag:$0x1] =	stream.indirect_vreg.gather [hbm4b:s2+s3], $0x80, v4, vm0, $0xb8;
	[tilespmem:$0x10280] =	vst v63  }
0x9d: {  	_ = 	snop  }
0x9e: {  	[tilespmem:s18], [sflag:$0x1] =	stream.indirect_vreg.gather [hbm4b:s2+s3], $0x80, v3, vm0, $0xb8;
	[tilespmem:$0x10280] =	vst v63  }
0x9f: {  	v3 =	vld [tilespmem:$0xC0];
	_ =	sdelay $0x4  }
0xa0: {  	v47 =	vshll.u32 v3, $0x1  }
0xa1: {  	v3 =	vand.u32 $0x7, v3;
	v4 =	vand.u32 $0xFFFFFFF0, v47  }
0xa2: {  	v3 =	vor.u32 v3, v4  }
0xa3: {  	v4 =	vperm.xlane v3, v0;
	_ =	sdelay $0x1  }
0xa4: {  	v3 =	vperm.xlane v3, v2;
	v4 =	vadd.s32 v1, v4;
	_ =	sdelay $0x1  }
0xa5: {  	v3 =	vadd.s32 v1, v3;
	_ =	sdelay $0x2  }
0xa6: {  	[tilespmem:s19], [sflag:$0x1] =	stream.indirect_vreg.gather [hbm4b:s2+s3], $0x80, v4, vm0, $0xb8;
	[tilespmem:$0x10280] =	vst v63  }
0xa7: {  	_ = 	snop  }
0xa8: {  	[tilespmem:s20], [sflag:$0x1] =	stream.indirect_vreg.gather [hbm4b:s2+s3], $0x80, v3, vm0, $0xb8;
	[tilespmem:$0x10280] =	vst v63  }
0xa9: {  	v3 =	vld [tilespmem:$0xD0];
	_ =	sdelay $0x4  }
0xaa: {  	v48 =	vshll.u32 v3, $0x1  }
0xab: {  	v3 =	vand.u32 $0x7, v3;
	v4 =	vand.u32 $0xFFFFFFF0, v48  }
0xac: {  	v3 =	vor.u32 v3, v4  }
0xad: {  	v4 =	vperm.xlane v3, v0;
	_ =	sdelay $0x1  }
0xae: {  	v3 =	vperm.xlane v3, v2;
	v4 =	vadd.s32 v1, v4;
	_ =	sdelay $0x1  }
0xaf: {  	v3 =	vadd.s32 v1, v3;
	_ =	sdelay $0x2  }
0xb0: {  	[tilespmem:s21], [sflag:$0x1] =	stream.indirect_vreg.gather [hbm4b:s2+s3], $0x80, v4, vm0, $0xb8;
	[tilespmem:$0x10280] =	vst v63  }
0xb1: {  	_ = 	snop  }
0xb2: {  	[tilespmem:s22], [sflag:$0x1] =	stream.indirect_vreg.gather [hbm4b:s2+s3], $0x80, v3, vm0, $0xb8;
	[tilespmem:$0x10280] =	vst v63  }
0xb3: {  	v3 =	vld [tilespmem:$0xE0];
	_ =	sdelay $0x4  }
0xb4: {  	v49 =	vshll.u32 v3, $0x1  }
0xb5: {  	v3 =	vand.u32 $0x7, v3;
	v4 =	vand.u32 $0xFFFFFFF0, v49  }
0xb6: {  	v3 =	vor.u32 v3, v4  }
0xb7: {  	v4 =	vperm.xlane v3, v0;
	_ =	sdelay $0x1  }
0xb8: {  	v3 =	vperm.xlane v3, v2;
	v4 =	vadd.s32 v1, v4;
	_ =	sdelay $0x1  }
0xb9: {  	v3 =	vadd.s32 v1, v3;
	_ =	sdelay $0x2  }
0xba: {  	[tilespmem:s23], [sflag:$0x1] =	stream.indirect_vreg.gather [hbm4b:s2+s3], $0x80, v4, vm0, $0xb8;
	[tilespmem:$0x10280] =	vst v63  }
0xbb: {  	_ = 	snop  }
0xbc: {  	[tilespmem:s24], [sflag:$0x1] =	stream.indirect_vreg.gather [hbm4b:s2+s3], $0x80, v3, vm0, $0xb8;
	[tilespmem:$0x10280] =	vst v63  }
0xbd: {  	v3 =	vld [tilespmem:$0xF0];
	_ =	sdelay $0x4  }
0xbe: {  	v50 =	vshll.u32 v3, $0x1  }
0xbf: {  	v3 =	vand.u32 $0x7, v3;
	v4 =	vand.u32 $0xFFFFFFF0, v50  }
0xc0: {  	v3 =	vor.u32 v3, v4  }
0xc1: {  	v4 =	vperm.xlane v3, v0;
	_ =	sdelay $0x1  }
0xc2: {  	v3 =	vperm.xlane v3, v2;
	v4 =	vadd.s32 v1, v4;
	_ =	sdelay $0x1  }
0xc3: {  	v3 =	vadd.s32 v1, v3;
	_ =	sdelay $0x2  }
0xc4: {  	[tilespmem:s25], [sflag:$0x1] =	stream.indirect_vreg.gather [hbm4b:s2+s3], $0x80, v4, vm0, $0xb8;
	[tilespmem:$0x10280] =	vst v63  }
0xc5: {  	_ = 	snop  }
0xc6: {  	[tilespmem:s26], [sflag:$0x1] =	stream.indirect_vreg.gather [hbm4b:s2+s3], $0x80, v3, vm0, $0xb8;
	[tilespmem:$0x10280] =	vst v63  }
0xc7: {  	_ = 	snop  }
0xc8: {  	[tilespmem:s29], [sflag:$0x1] =	stream.indirect.gather [hbm4b:s4+s28], $0x1, s3, s28, $0xb8;
	[tilespmem:$0x10280] =	vst v63  }
0xc9: {  	_ = 	snop  }
0xca: {  	[tilespmem:s30], [sflag:$0x1] =	stream.indirect.gather [hbm4b:s4+s28], $0x1, s28, s28, $0xb8;
	[tilespmem:$0x10280] =	vst v63  }
0xcb: {  	_ =	swait.ge [sflag:s31], $0x8000  }
0xcc: {  	[sflag:s31] =	ssyncset.done $0x0  }
0xcd: {  	[sflag:s31] =	ssyncadd.s32 $0xFFFF8000  }
0xce: {  	_ =	swait.ge [sflag:s31], $0x8000  }
0xcf: {  	[sflag:s31] =	ssyncset.done $0x0  }
0xd0: {  	[sflag:s31] =	ssyncadd.s32 $0xFFFF8000  }
0xd1: {  	_ =	swait.ge [sflag:s31], $0x80  }
0xd2: {  	[sflag:s31] =	ssyncset.done $0x0  }
0xd3: {  	[sflag:s31] =	ssyncadd.s32 $0xFFFFFF80  }
0xd4: {  	_ =	swait.ge [sflag:s31], $0x80  }
0xd5: {  	[sflag:s31] =	ssyncset.done $0x0  }
0xd6: {  	s8 =	rddreg [dreg:$0x5];
	[sflag:s31] =	ssyncadd.s32 $0xFFFFFF80  }
0xd7: {  	[hbm4b:s8+s3] =	stream.linear.scatter [tilespmem:s7], [sflag:$0x2], $0x10000, $0x38;
	[tilespmem:$0x10280] =	vst v63  }
0xd8: {  	_ =	swait.ge [sflag:s6], $0x10000  }
0xd9: {  	[sflag:s6] =	ssyncset.done $0x0  }
0xda: {  	[sflag:s6] =	ssyncadd.s32 $0xFFFF0000  }
0xdb: {  	v3 =	vld [tilespmem:$0x10100]  }
0xdc: {  	v51 =	vld [tilespmem:$0x10110];
	_ =	sdelay $0x1  }
0xdd: {  	v5 =	vld [tilespmem:$0x10120];
	_ =	sdelay $0x1  }
0xde: {  	v6 =	vld [tilespmem:$0x10130]  }
0xdf: {  	v3 =	vadd.f32 v51, v3  }
0xe0: {  	v52 =	vld [tilespmem:$0x10140]  }
0xe1: {  	v3 =	vadd.f32 v5, v3  }
0xe2: {  	v53 =	vld [tilespmem:$0x10150]  }
0xe3: {  	v3 =	vadd.f32 v6, v3  }
0xe4: {  	v54 =	vld [tilespmem:$0x10160]  }
0xe5: {  	v3 =	vadd.f32 v52, v3  }
0xe6: {  	v55 =	vld [tilespmem:$0x10170]  }
0xe7: {  	v3 =	vadd.f32 v53, v3  }
0xe8: {  	v56 =	vld [tilespmem:$0x10180]  }
0xe9: {  	v3 =	vadd.f32 v54, v3  }
0xea: {  	v57 =	vld [tilespmem:$0x10190]  }
0xeb: {  	v3 =	vadd.f32 v55, v3  }
0xec: {  	v58 =	vld [tilespmem:$0x101A0]  }
0xed: {  	v3 =	vadd.f32 v56, v3  }
0xee: {  	v59 =	vld [tilespmem:$0x101B0]  }
0xef: {  	v3 =	vadd.f32 v57, v3  }
0xf0: {  	v60 =	vld [tilespmem:$0x101C0]  }
0xf1: {  	v3 =	vadd.f32 v58, v3  }
0xf2: {  	v61 =	vld [tilespmem:$0x101D0]  }
0xf3: {  	v3 =	vadd.f32 v59, v3  }
0xf4: {  	v62 =	vld [tilespmem:$0x101E0]  }
0xf5: {  	v3 =	vadd.f32 v60, v3  }
0xf6: {  	v63 =	vld [tilespmem:$0x101F0]  }
0xf7: {  	v3 =	vadd.f32 v61, v3;
	_ =	sdelay $0x1  }
0xf8: {  	v3 =	vadd.f32 v62, v3;
	_ =	sdelay $0x1  }
0xf9: {  	v3 =	vadd.f32 v63, v3  }
0xfa: {  	p0 =	sne.s32 s5, $0x1  }
.Ltmp0:
0xfb: {  	s8 =	rddreg [dreg:$0x6];
	[tilespmem:$0x10200] =	vst v3;
	(pc) =	sbr.rel @p0 .LBB2_1-.Ltmp0, $4  }
0xfc: {  	[hbm4b:s8+s3] =	stream.linear.scatter [tilespmem:s1], [sflag:$0x2], $0x80, $0x38;
	[tilespmem:$0x10280] =	vst v63  }
0xfd: {  	_ =	swait.ge [sflag:s6], $0x80  }
0xfe: {  	[sflag:s6] =	ssyncset.done $0x0  }
0xff: {  	s5 =	sadd.s32 $0xFFFFFFFF, s5;
	[sflag:s6] =	ssyncadd.s32 $0xFFFFFF80  }
0x100: {  	_ =	sfence.sel $0x180000  }
0x101: {  	[bflag:$0x0] =	sbarrier.arrive $0xFFFF  }
0x102: {  	_ =	strace $0x90000047  }
0x103: {  	s0 =	stileid.u32;
	[bflag:$0x2] =	sbarrier.arrive $0xFFFF  }
0x104: {  	p0 =	sne.s32 s0, $0x0;
	s0 =	rddreg [dreg:$0x3]  }
0x105: {  	s0 =	sadd.s32 @!p0 $0x100000, s0  }
0x106: {  	[sflag:s0] =	ssyncadd.tile.s32 @!p0 $0x1;
	_ =	shalt  }
.Lfunc_end2:
_tile_overlayer_lowered:
.L_overlay_start_2:
0x107: {  	(tag) =	ssettag $0x2  }
0x108: {  	s0 =	rddreg [dreg:$0x0];
	s2 =	stileid.u32  }
0x109: {  	s1 =	rddreg [dreg:$0x1];
	p0 =	sne.s32 s2, $0x0  }
0x10a: {  	s3 =	rddreg [dreg:$0x2];
	[bflag:$0x3] =	sbarrier.arrive $0xFFFF;
	s2 =	simm.s32 @!p0 $0x1C02  }
0x10b: {  	[timem:s3], [sflag:s2] =	dma.local @!p0 [hbm:s0], s1  }
0x10c: {  	s0 =	simm.s32 @!p0 $0x2  }
0x10d: {  	_ =	swait.ge @!p0 [sflag:s0], s1  }
0x10e: {  	s1 =	ssub.s32 @!p0 $0x0, s1;
	[sflag:s0] =	ssyncset.done @!p0 $0x0  }
0x10f: {  	[sflag:s0] =	ssyncadd.s32 @!p0 s1  }
0x110: {  	[bflag:$0x3] =	sbarrier.arrive $0xFFFF  }
0x111: {  	_ =	shalt  }

</sc_bundles>
